<compile_context>
chip_gen: v7x
topology: tpu7x:2x2x1
jax: 0.10.2.dev20260603
libtpu: 0.0.44.dev20260713+nightly
codegen_flags: <defaults>
</compile_context>

<pallas_src>
import functools

import jax
import jax.numpy as jnp
from jax import lax
from jax.experimental import pallas as pl
from jax.experimental.pallas import tpu as pltpu
from jax.experimental.pallas import tpu_sc as plsc

LATENT = 16
EMBED = 64
N_TOK = LATENT ** 3
K_CB = 8192
TOK_BLK = 1024
DSLABS_PER_BLK = 4
CB_BLK = 1024



def _bitsum_body(x_ref, s_ref, s2_ref, g_ref, o_ref):
    xi = x_ref[...]
    s = s_ref[...]
    a = lax.dot_general(xi, s, (((1,), (0,)), ((), ())),
                        preferred_element_type=jnp.int32)
    for g in range(DSLABS_PER_BLK):
        base = g * 16
        asums = []
        for dm in range(4):
            asums.append(a[(base + dm + 0) * 256:(base + dm + 1) * 256]
                         + a[(base + dm + 4) * 256:(base + dm + 5) * 256]
                         + a[(base + dm + 8) * 256:(base + dm + 9) * 256]
                         + a[(base + dm + 12) * 256:(base + dm + 13) * 256])
        asum_all = jnp.concatenate(asums, axis=1).astype(jnp.int8)
        c2 = lax.dot_general(s2_ref[...], asum_all, (((0,), (0,)), ((), ())),
                             preferred_element_type=jnp.int32)
        lhs = jnp.concatenate([c2[hm * 16:(hm + 1) * 16] for hm in range(4)],
                              axis=1).astype(jnp.float32)
        o_ref[g] = lax.dot_general(lhs, g_ref[...], (((1,), (0,)), ((), ())),
                                   preferred_element_type=jnp.float32)


def _bitsum(x2, sel, sel2, gmat):
    return pl.pallas_call(
        _bitsum_body,
        grid=(16 // DSLABS_PER_BLK,),
        in_specs=[
            pl.BlockSpec((4096 * DSLABS_PER_BLK, 256), lambda i: (i, 0)),
            pl.BlockSpec((256, 64), lambda i: (0, 0)),
            pl.BlockSpec((256, 64), lambda i: (0, 0)),
            pl.BlockSpec((1024, 2048), lambda i: (0, 0)),
        ],
        out_specs=pl.BlockSpec((DSLABS_PER_BLK, 16, 2048),
                               lambda i: (i, 0, 0)),
        out_shape=jax.ShapeDtypeStruct((16, 16, 2048), jnp.float32),
    )(x2, sel, sel2, gmat)



def _vq_body(sp_ref, benc_ref, cb_ref,
             seq_out_ref, fidx_ref, nzf_ref,
             seq_s, bestv_s, besti_s):
    c = pl.program_id(1)
    n_cb = pl.num_programs(1)

    @pl.when(c == 0)
    def _init():
        seq = sp_ref[:, :EMBED] + benc_ref[...]
        seq_s[...] = seq
        seq_out_ref[...] = seq
        bestv_s[...] = jnp.full((TOK_BLK, 1), jnp.inf, jnp.float32)
        besti_s[...] = jnp.zeros((TOK_BLK, 1), jnp.int32)

    seq = seq_s[...]
    s2 = jnp.sum(seq * seq, axis=1, keepdims=True)
    cb = cb_ref[...]
    c2 = lax.dot_general(jnp.ones((1, EMBED), jnp.float32), cb * cb,
                         (((1,), (1,)), ((), ())),
                         preferred_element_type=jnp.float32)
    ndot2 = lax.dot_general(-2.0 * seq, cb, (((1,), (1,)), ((), ())),
                            preferred_element_type=jnp.float32)
    d = (s2 + ndot2) + c2
    m = jnp.min(d, axis=1, keepdims=True)
    iota = lax.broadcasted_iota(jnp.int32, (TOK_BLK, CB_BLK), 1)
    am = jnp.min(jnp.where(d == m, iota, jnp.int32(2 ** 30)),
                 axis=1, keepdims=True)
    better = m < bestv_s[...]
    besti_s[...] = jnp.where(better, am + c * CB_BLK, besti_s[...])
    bestv_s[...] = jnp.where(better, m, bestv_s[...])

    @pl.when(c == n_cb - 1)
    def _fin():
        nz = sp_ref[:, EMBED:EMBED + 1] > 0.0
        fidx_ref[...] = jnp.where(nz, besti_s[...] + 1, 0)
        nzf_ref[...] = nz.astype(jnp.float32)


def _vq(seq_p, benc, codebook):
    return pl.pallas_call(
        _vq_body,
        grid=(N_TOK // TOK_BLK, K_CB // CB_BLK),
        in_specs=[
            pl.BlockSpec((TOK_BLK, 128), lambda t, c: (t, 0)),
            pl.BlockSpec((1, EMBED), lambda t, c: (0, 0)),
            pl.BlockSpec((CB_BLK, EMBED), lambda t, c: (c, 0)),
        ],
        out_specs=[
            pl.BlockSpec((TOK_BLK, EMBED), lambda t, c: (t, 0)),
            pl.BlockSpec((TOK_BLK, 1), lambda t, c: (t, 0)),
            pl.BlockSpec((TOK_BLK, 1), lambda t, c: (t, 0)),
        ],
        out_shape=[
            jax.ShapeDtypeStruct((N_TOK, EMBED), jnp.float32),
            jax.ShapeDtypeStruct((N_TOK, 1), jnp.int32),
            jax.ShapeDtypeStruct((N_TOK, 1), jnp.float32),
        ],
        scratch_shapes=[
            pltpu.VMEM((TOK_BLK, EMBED), jnp.float32),
            pltpu.VMEM((TOK_BLK, 1), jnp.float32),
            pltpu.VMEM((TOK_BLK, 1), jnp.int32),
        ],
    )(seq_p, benc, codebook)



def _sc_gather(table, idx):
    info = plsc.get_sparse_core_info()
    nw = info.num_cores * info.num_subcores
    b_per_w = N_TOK // nw
    width = table.shape[1]
    mesh = plsc.VectorSubcoreMesh(core_axis_name="c", subcore_axis_name="s")

    @functools.partial(
        pl.kernel,
        out_type=jax.ShapeDtypeStruct((N_TOK, width), jnp.float32),
        mesh=mesh,
        scratch_types=[
            pltpu.VMEM((b_per_w,), jnp.int32),
            pltpu.VMEM((b_per_w, width), jnp.float32),
            pltpu.SemaphoreType.DMA,
        ],
    )
    def k(table_hbm, idx_hbm, out_hbm, idx_v, rows_v, sem):
        wid = lax.axis_index("s") * info.num_cores + lax.axis_index("c")
        base = wid * b_per_w
        pltpu.sync_copy(idx_hbm.at[pl.ds(base, b_per_w)], idx_v)
        pltpu.sync_copy(table_hbm.at[pl.ds(0, b_per_w)], rows_v)
        pltpu.sync_copy(rows_v, out_hbm.at[pl.ds(base, b_per_w)])

    return k(table, idx)



def _post_body(q_ref, seq_ref, nzf_ref, pos_ref, pqw_ref, pqb_ref,
               out_ref, s_ref, n_ref):
    q = q_ref[:, :EMBED]
    pqw = pqw_ref[...]
    out_ref[...] = (lax.dot_general(pqw, q, (((1,), (1,)), ((), ())),
                                    preferred_element_type=jnp.float32)
                    + lax.dot_general(pqw, pos_ref[...],
                                      (((1,), (0,)), ((), ())),
                                      preferred_element_type=jnp.float32)
                    + pqb_ref[...])
    diff = q - seq_ref[...]
    mse = jnp.sum(diff * diff, axis=1, keepdims=True) * (1.0 / EMBED)
    nzf = nzf_ref[...]
    s_ref[...] = jnp.sum(mse * nzf).reshape(1, 1)
    n_ref[...] = jnp.sum(nzf).reshape(1, 1)


def _post(quant, seq, nzf, pos_cn, pqw, pqb_col):
    return pl.pallas_call(
        _post_body,
        out_shape=[
            jax.ShapeDtypeStruct((EMBED, N_TOK), jnp.float32),
            jax.ShapeDtypeStruct((1, 1), jnp.float32),
            jax.ShapeDtypeStruct((1, 1), jnp.float32),
        ],
    )(quant, seq, nzf, pos_cn, pqw, pqb_col)



def kernel(x, W_enc, b_enc, codebook, replacement_token, pos_embedding,
           post_quant_w, post_quant_b):
    b = x.shape[0]
    x2 = x.reshape(256 * 256, 256).view(jnp.int8)

    u = jnp.arange(256)
    sel = jax.nn.one_hot(4 * (u // 16) + (u % 4), 64, dtype=jnp.int8)
    sel2 = jax.nn.one_hot((u % 4) * 16 + u // 16, 64, dtype=jnp.int8)

    qs = jnp.arange(64)
    w64 = W_enc[qs // 8] * ((2.0 ** (qs % 8)) / (255.0 * 64.0))[:, None]
    w64r = w64.reshape(4, 4, 4, EMBED)
    w64p = jnp.concatenate(
        [w64r, jnp.ones((4, 4, 4, 1), jnp.float32),
         jnp.zeros((4, 4, 4, 63), jnp.float32)], axis=-1)
    gmat = (jnp.eye(16, dtype=jnp.float32)[None, None, :, None, :, None]
            * jnp.transpose(w64p, (1, 0, 2, 3))[:, :, None, :, None, :]
            ).reshape(1024, 2048)

    seq_p = _bitsum(x2, sel, sel2, gmat).reshape(N_TOK, 128)

    seq, fidx, nzf = _vq(seq_p, b_enc.reshape(1, EMBED), codebook)

    full_codebook = jnp.concatenate([replacement_token, codebook], axis=0)
    table_p = jnp.concatenate([full_codebook, jnp.zeros_like(full_codebook)],
                              axis=1)
    quant = _sc_gather(table_p, fidx.reshape(N_TOK))

    pos_cn = pos_embedding.reshape(EMBED, N_TOK)
    out_cn, s_sum, n_sum = _post(quant, seq, nzf, pos_cn, post_quant_w,
                                 post_quant_b.reshape(EMBED, 1))

    out = out_cn.reshape(b, EMBED, LATENT, LATENT, LATENT)
    cnt_nz = n_sum[0, 0]
    denom = jnp.maximum(cnt_nz, 1.0)
    commit_loss = 0.25 * s_sum[0, 0] / denom * (cnt_nz / N_TOK)
    full_indices = fidx.reshape(b, N_TOK)
    return out, commit_loss, full_indices

# --- scband reference (transcript-rebuilt; emitter-appended) ---
"""Pipeline reference for scband-vqmodel3-d-55456617726516 (READ-ONLY COPY).

The authoritative reference and input builder live on the scoring server;
editing this copy changes nothing except your own understanding.
"""

import jax, jax.numpy as jnp
import numpy as np

B = 1
VOX = 256
LATENT = 16
EMBED_DIM = 64
N_EMBED = 8192


def boolean_to_multichannel(x):
    # x: bool (B, 1, D, H, W) -> float32 (B, 8, D//4, H//4, W//4)
    b, _, D, H, W = x.shape
    v = x[:, 0]
    p = v.reshape(b, D // 4, 4, H // 4, 4, W // 4, 4)
    p = jnp.transpose(p, (0, 1, 3, 5, 2, 4, 6)).reshape(b, D // 4, H // 4, W // 4, 8, 8).astype(jnp.int32)
    pow2 = (2 ** jnp.arange(8)).astype(jnp.int32)
    mc = (p * pow2).sum(-1)  # (b, D4, H4, W4, 8), values in [0,255]
    return jnp.transpose(mc, (0, 4, 1, 2, 3)).astype(jnp.float32) / 255.0


def zero_patch_mask_3d(x, patch):
    # x: bool (B, 1, D, H, W) -> True where a patch is entirely zero
    b, _, D, H, W = x.shape
    v = x[:, 0]
    m = v.reshape(b, D // patch, patch, H // patch, patch, W // patch, patch)
    return ~(m.any(axis=(2, 4, 6)))


def setup_inputs(seed: int = 0) -> dict:
    key = jax.random.key(seed)
    ks = jax.random.split(key, 8)
    x = jax.random.randint(ks[0], (B, 1, VOX, VOX, VOX), 0, 2).astype(bool)
    W_enc = jax.random.normal(ks[1], (8, EMBED_DIM), dtype=jnp.float32) * 0.1
    b_enc = jnp.zeros((EMBED_DIM,), dtype=jnp.float32)
    codebook = jax.random.normal(ks[2], (N_EMBED, EMBED_DIM), dtype=jnp.float32)
    replacement_token = jax.random.normal(ks[3], (1, EMBED_DIM), dtype=jnp.float32) * 0.02
    pos_embedding = jax.random.normal(ks[4], (1, EMBED_DIM, LATENT, LATENT, LATENT), dtype=jnp.float32) * 0.02
    post_quant_w = jax.random.normal(ks[5], (EMBED_DIM, EMBED_DIM), dtype=jnp.float32) * 0.1
    post_quant_b = jnp.zeros((EMBED_DIM,), dtype=jnp.float32)
    return {"x": x, "W_enc": W_enc, "b_enc": b_enc, "codebook": codebook,
            "replacement_token": replacement_token, "pos_embedding": pos_embedding,
            "post_quant_w": post_quant_w, "post_quant_b": post_quant_b}


def reference(x, W_enc, b_enc, codebook, replacement_token, pos_embedding, post_quant_w, post_quant_b):
    b = x.shape[0]
    # multichannel bit-packed encoding of boolean voxels
    mc = boolean_to_multichannel(x)  # (B, 8, 64, 64, 64)
    # encoder stand-in (Encoder3D is external): avg-pool to latent grid + 1x1 projection
    f = mc.shape[2] // LATENT
    pm = mc.reshape(b, 8, LATENT, f, LATENT, f, LATENT, f).mean(axis=(3, 5, 7))  # (B,8,16,16,16)
    seq = jnp.transpose(pm, (0, 2, 3, 4, 1)).reshape(b, LATENT ** 3, 8)
    seq = seq @ W_enc + b_enc  # (B, 4096, 64)
    # zero-patch replacement mask (patch_size = D / d_latent)
    patch = x.shape[-3] // LATENT
    zero_mask = zero_patch_mask_3d(x, patch).reshape(b, -1)
    nonzero = ~zero_mask
    non_mask_frac = nonzero.astype(jnp.float32).mean()
    # vector quantize: nearest codebook entry by L2
    d = (seq ** 2).sum(-1, keepdims=True) - 2.0 * jnp.einsum('bnd,kd->bnk', seq, codebook) + (codebook ** 2).sum(-1)
    indices = jnp.argmin(d, axis=-1)  # (B, N)
    # replacement token at index 0; real codes shifted by +1
    full_indices = jnp.where(nonzero, indices + 1, 0)
    full_codebook = jnp.concatenate([replacement_token, codebook], axis=0)  # (K+1, d)
    quant_seq = jnp.take(full_codebook, full_indices, axis=0)  # (B, N, d)
    # commitment loss over non-masked tokens, scaled by non-masked fraction
    qn = jnp.take(codebook, indices, axis=0)
    mse = ((jax.lax.stop_gradient(qn) - seq) ** 2).mean(-1)
    denom = jnp.maximum(nonzero.sum(), 1).astype(jnp.float32)
    commit_loss = 0.25 * (mse * nonzero.astype(jnp.float32)).sum() / denom * non_mask_frac
    # unflatten, add positional embedding, post-quant 1x1 conv
    quant = jnp.transpose(quant_seq, (0, 2, 1)).reshape(b, EMBED_DIM, LATENT, LATENT, LATENT)
    quant = quant + pos_embedding
    out = jnp.einsum('bcdhw,oc->bodhw', quant, post_quant_w) + post_quant_b[None, :, None, None, None]
    return out, commit_loss, full_indices

if __name__ == "__main__":
    import jax
    _d = setup_inputs()
    print(jax.jit(kernel)(*tuple(_d.values())))

</pallas_src>

<mosaic_0001>
#map = affine_map<(d0, d1) -> (0, 0)>
#map1 = affine_map<(d0, d1) -> (0)>
module attributes {stable_mosaic.version = 14 : i64} {
  func.func @k(%arg0: i32, %arg1: i32, %arg2: memref<8193x128xf32, #tpu.memory_space<hbm>>, %arg3: memref<4096xi32, #tpu.memory_space<hbm>>, %arg4: memref<4096x128xf32, #tpu.memory_space<hbm>>, %arg5: memref<128xi32, #tpu.memory_space<vmem>>, %arg6: memref<128x128xf32, #tpu.memory_space<vmem>>, %arg7: memref<!tpu.dma_semaphore, #tpu.memory_space<semaphore_mem>>) attributes {dimension_semantics = [#tpu.dimension_semantics<core_parallel>, #tpu.dimension_semantics<subcore_parallel>], iteration_bounds = array<i64: 2, 16>, scalar_prefetch = 0 : i64, scratch_operands = 3 : i64, tpu.core_type = #tpu.core_type<sc_vector_subcore>, window_params = [{transform_indices = #map}, {transform_indices = #map1}, {transform_indices = #map}]} {
    %mul3A = arith.constant 2 : i32
    %mul3A_0 = arith.muli %arg1, %mul3A : i32
    %add3A = arith.addi %mul3A_0, %arg0 : i32
    %mul3A_1 = arith.constant 128 : i32
    %mul3A_2 = arith.muli %add3A, %mul3A_1 : i32
    "tpu.region"() ({
      %run_scoped3A = tpu.sem_alloc : memref<!tpu.dma_semaphore, #tpu.memory_space<semaphore_mem>>
      %dma_start3A = tpu.memref_slice %arg3[%mul3A_2] : memref<4096xi32, #tpu.memory_space<hbm>> -> memref<128xi32, #tpu.memory_space<hbm>>
      %dma_start3A_3 = tpu.memref_slice %arg3[%mul3A_2] : memref<4096xi32, #tpu.memory_space<hbm>> -> memref<128xi32, #tpu.memory_space<hbm>>
      tpu.enqueue_dma source(%dma_start3A_3 : memref<128xi32, #tpu.memory_space<hbm>>) target(%arg5 : memref<128xi32, #tpu.memory_space<vmem>>) target_semaphore(%run_scoped3A : memref<!tpu.dma_semaphore, #tpu.memory_space<semaphore_mem>>)
      %dma_wait3A = tpu.memref_slice %arg3[%mul3A_2] : memref<4096xi32, #tpu.memory_space<hbm>> -> memref<128xi32, #tpu.memory_space<hbm>>
      %dma_wait3A_4 = tpu.memref_slice %arg3[%mul3A_2] : memref<4096xi32, #tpu.memory_space<hbm>> -> memref<128xi32, #tpu.memory_space<hbm>>
      tpu.wait_dma2 semaphore(%run_scoped3A : memref<!tpu.dma_semaphore, #tpu.memory_space<semaphore_mem>>) src(%dma_wait3A_4 : memref<128xi32, #tpu.memory_space<hbm>>) dst(%arg5 : memref<128xi32, #tpu.memory_space<vmem>>)
      tpu.yield
    }) : () -> ()
    "tpu.region"() ({
      %run_scoped3A = tpu.sem_alloc : memref<!tpu.dma_semaphore, #tpu.memory_space<semaphore_mem>>
      %dma_start3A = arith.constant 0 : i32
      %dma_start3A_3 = arith.constant 0 : i32
      %dma_start3A_4 = tpu.memref_slice %arg2[%dma_start3A, %dma_start3A_3] : memref<8193x128xf32, #tpu.memory_space<hbm>> -> memref<128x128xf32, #tpu.memory_space<hbm>>
      %dma_start3A_5 = arith.constant 0 : i32
      %dma_start3A_6 = arith.constant 0 : i32
      %dma_start3A_7 = tpu.memref_slice %arg2[%dma_start3A_5, %dma_start3A_6] : memref<8193x128xf32, #tpu.memory_space<hbm>> -> memref<128x128xf32, #tpu.memory_space<hbm>>
      tpu.enqueue_dma source(%dma_start3A_7 : memref<128x128xf32, #tpu.memory_space<hbm>>) target(%arg6 : memref<128x128xf32, #tpu.memory_space<vmem>>) target_semaphore(%run_scoped3A : memref<!tpu.dma_semaphore, #tpu.memory_space<semaphore_mem>>)
      %dma_wait3A = arith.constant 0 : i32
      %dma_wait3A_8 = arith.constant 0 : i32
      %dma_wait3A_9 = tpu.memref_slice %arg2[%dma_wait3A, %dma_wait3A_8] : memref<8193x128xf32, #tpu.memory_space<hbm>> -> memref<128x128xf32, #tpu.memory_space<hbm>>
      %dma_wait3A_10 = arith.constant 0 : i32
      %dma_wait3A_11 = arith.constant 0 : i32
      %dma_wait3A_12 = tpu.memref_slice %arg2[%dma_wait3A_10, %dma_wait3A_11] : memref<8193x128xf32, #tpu.memory_space<hbm>> -> memref<128x128xf32, #tpu.memory_space<hbm>>
      tpu.wait_dma2 semaphore(%run_scoped3A : memref<!tpu.dma_semaphore, #tpu.memory_space<semaphore_mem>>) src(%dma_wait3A_12 : memref<128x128xf32, #tpu.memory_space<hbm>>) dst(%arg6 : memref<128x128xf32, #tpu.memory_space<vmem>>)
      tpu.yield
    }) : () -> ()
    "tpu.region"() ({
      %run_scoped3A = tpu.sem_alloc : memref<!tpu.dma_semaphore, #tpu.memory_space<semaphore_mem>>
      %dma_start3A = arith.constant 0 : i32
      %dma_start3A_3 = tpu.memref_slice %arg4[%mul3A_2, %dma_start3A] : memref<4096x128xf32, #tpu.memory_space<hbm>> -> memref<128x128xf32, #tpu.memory_space<hbm>>
      %dma_start3A_4 = arith.constant 0 : i32
      %dma_start3A_5 = tpu.memref_slice %arg4[%mul3A_2, %dma_start3A_4] : memref<4096x128xf32, #tpu.memory_space<hbm>> -> memref<128x128xf32, #tpu.memory_space<hbm>>
      tpu.enqueue_dma source(%arg6 : memref<128x128xf32, #tpu.memory_space<vmem>>) target(%dma_start3A_5 : memref<128x128xf32, #tpu.memory_space<hbm>>) target_semaphore(%run_scoped3A : memref<!tpu.dma_semaphore, #tpu.memory_space<semaphore_mem>>)
      %dma_wait3A = arith.constant 0 : i32
      %dma_wait3A_6 = tpu.memref_slice %arg4[%mul3A_2, %dma_wait3A] : memref<4096x128xf32, #tpu.memory_space<hbm>> -> memref<128x128xf32, #tpu.memory_space<hbm>>
      %dma_wait3A_7 = arith.constant 0 : i32
      %dma_wait3A_8 = tpu.memref_slice %arg4[%mul3A_2, %dma_wait3A_7] : memref<4096x128xf32, #tpu.memory_space<hbm>> -> memref<128x128xf32, #tpu.memory_space<hbm>>
      tpu.wait_dma2 semaphore(%run_scoped3A : memref<!tpu.dma_semaphore, #tpu.memory_space<semaphore_mem>>) src(%arg6 : memref<128x128xf32, #tpu.memory_space<vmem>>) dst(%dma_wait3A_8 : memref<128x128xf32, #tpu.memory_space<hbm>>)
      tpu.yield
    }) : () -> ()
    return
  }
}

module attributes {stable_mosaic.version = 14 : i64} {
  func.func @_bitsum_body(%arg0: i32, %arg1: memref<16384x256xi8, #tpu.memory_space<vmem>>, %arg2: memref<256x64xi8, #tpu.memory_space<vmem>>, %arg3: memref<256x64xi8, #tpu.memory_space<vmem>>, %arg4: memref<1024x2048xf32, #tpu.memory_space<vmem>>, %arg5: memref<4x16x2048xf32, #tpu.memory_space<vmem>>) attributes {dimension_semantics = [#tpu.dimension_semantics<arbitrary>], iteration_bounds = array<i64: 4>, scalar_prefetch = 0 : i64, scratch_operands = 0 : i64, tpu.core_type = #tpu.core_type<tc>, window_params = [{transform_indices = @transform_0, window_bounds = array<i64: 16384, 256>}, {pipeline_mode = #tpu.pipeline_mode<synchronous>, transform_indices = @transform_1, window_bounds = array<i64: 256, 64>}, {pipeline_mode = #tpu.pipeline_mode<synchronous>, transform_indices = @transform_2, window_bounds = array<i64: 256, 64>}, {pipeline_mode = #tpu.pipeline_mode<synchronous>, transform_indices = @transform_3, window_bounds = array<i64: 1024, 2048>}, {transform_indices = @transform_4, window_bounds = array<i64: 4, 16, 2048>}]} {
    %get3A = arith.constant 0 : index
    %get3A_0 = arith.constant 0 : index
    %get3A_1 = vector.load %arg1[%get3A, %get3A_0] : memref<16384x256xi8, #tpu.memory_space<vmem>>, vector<16384x256xi8>
    %get3A_2 = arith.constant 0 : index
    %get3A_3 = arith.constant 0 : index
    %get3A_4 = vector.load %arg2[%get3A_2, %get3A_3] : memref<256x64xi8, #tpu.memory_space<vmem>>, vector<256x64xi8>
    %dot_general3A = arith.constant dense<0> : vector<16384x64xi32>
    %dot_general3A_5 = tpu.matmul %get3A_1, %get3A_4, %dot_general3A {dimension_numbers = #tpu.dot_dimension_numbers<[1], [0], [0], [1], [0, 0, 1, 1], [], []>, transpose_lhs_hint = false} : vector<16384x256xi8>, vector<256x64xi8>, vector<16384x64xi32> -> vector<16384x64xi32>
    %slice3A = vector.extract_strided_slice %dot_general3A_5 {offsets = [0, 0], sizes = [256, 64], strides = [1, 1]} : vector<16384x64xi32> to vector<256x64xi32>
    %slice3A_6 = vector.extract_strided_slice %dot_general3A_5 {offsets = [1024, 0], sizes = [256, 64], strides = [1, 1]} : vector<16384x64xi32> to vector<256x64xi32>
    %add3A = arith.addi %slice3A, %slice3A_6 : vector<256x64xi32>
    %slice3A_7 = vector.extract_strided_slice %dot_general3A_5 {offsets = [2048, 0], sizes = [256, 64], strides = [1, 1]} : vector<16384x64xi32> to vector<256x64xi32>
    %add3A_8 = arith.addi %add3A, %slice3A_7 : vector<256x64xi32>
    %slice3A_9 = vector.extract_strided_slice %dot_general3A_5 {offsets = [3072, 0], sizes = [256, 64], strides = [1, 1]} : vector<16384x64xi32> to vector<256x64xi32>
    %add3A_10 = arith.addi %add3A_8, %slice3A_9 : vector<256x64xi32>
    %slice3A_11 = vector.extract_strided_slice %dot_general3A_5 {offsets = [256, 0], sizes = [256, 64], strides = [1, 1]} : vector<16384x64xi32> to vector<256x64xi32>
    %slice3A_12 = vector.extract_strided_slice %dot_general3A_5 {offsets = [1280, 0], sizes = [256, 64], strides = [1, 1]} : vector<16384x64xi32> to vector<256x64xi32>
    %add3A_13 = arith.addi %slice3A_11, %slice3A_12 : vector<256x64xi32>
    %slice3A_14 = vector.extract_strided_slice %dot_general3A_5 {offsets = [2304, 0], sizes = [256, 64], strides = [1, 1]} : vector<16384x64xi32> to vector<256x64xi32>
    %add3A_15 = arith.addi %add3A_13, %slice3A_14 : vector<256x64xi32>
    %slice3A_16 = vector.extract_strided_slice %dot_general3A_5 {offsets = [3328, 0], sizes = [256, 64], strides = [1, 1]} : vector<16384x64xi32> to vector<256x64xi32>
    %add3A_17 = arith.addi %add3A_15, %slice3A_16 : vector<256x64xi32>
    %slice3A_18 = vector.extract_strided_slice %dot_general3A_5 {offsets = [512, 0], sizes = [256, 64], strides = [1, 1]} : vector<16384x64xi32> to vector<256x64xi32>
    %slice3A_19 = vector.extract_strided_slice %dot_general3A_5 {offsets = [1536, 0], sizes = [256, 64], strides = [1, 1]} : vector<16384x64xi32> to vector<256x64xi32>
    %add3A_20 = arith.addi %slice3A_18, %slice3A_19 : vector<256x64xi32>
    %slice3A_21 = vector.extract_strided_slice %dot_general3A_5 {offsets = [2560, 0], sizes = [256, 64], strides = [1, 1]} : vector<16384x64xi32> to vector<256x64xi32>
    %add3A_22 = arith.addi %add3A_20, %slice3A_21 : vector<256x64xi32>
    %slice3A_23 = vector.extract_strided_slice %dot_general3A_5 {offsets = [3584, 0], sizes = [256, 64], strides = [1, 1]} : vector<16384x64xi32> to vector<256x64xi32>
    %add3A_24 = arith.addi %add3A_22, %slice3A_23 : vector<256x64xi32>
    %slice3A_25 = vector.extract_strided_slice %dot_general3A_5 {offsets = [768, 0], sizes = [256, 64], strides = [1, 1]} : vector<16384x64xi32> to vector<256x64xi32>
    %slice3A_26 = vector.extract_strided_slice %dot_general3A_5 {offsets = [1792, 0], sizes = [256, 64], strides = [1, 1]} : vector<16384x64xi32> to vector<256x64xi32>
    %add3A_27 = arith.addi %slice3A_25, %slice3A_26 : vector<256x64xi32>
    %slice3A_28 = vector.extract_strided_slice %dot_general3A_5 {offsets = [2816, 0], sizes = [256, 64], strides = [1, 1]} : vector<16384x64xi32> to vector<256x64xi32>
    %add3A_29 = arith.addi %add3A_27, %slice3A_28 : vector<256x64xi32>
    %slice3A_30 = vector.extract_strided_slice %dot_general3A_5 {offsets = [3840, 0], sizes = [256, 64], strides = [1, 1]} : vector<16384x64xi32> to vector<256x64xi32>
    %add3A_31 = arith.addi %add3A_29, %slice3A_30 : vector<256x64xi32>
    %concatenate3A = tpu.concatenate %add3A_10, %add3A_17, %add3A_24, %add3A_31 in 1 : vector<256x64xi32>, vector<256x64xi32>, vector<256x64xi32>, vector<256x64xi32> -> vector<256x256xi32>
    %convert_element_type3A = arith.trunci %concatenate3A : vector<256x256xi32> to vector<256x256xi8>
    %get3A_32 = arith.constant 0 : index
    %get3A_33 = arith.constant 0 : index
    %get3A_34 = vector.load %arg3[%get3A_32, %get3A_33] : memref<256x64xi8, #tpu.memory_space<vmem>>, vector<256x64xi8>
    %dot_general3A_35 = arith.constant dense<0> : vector<64x256xi32>
    %dot_general3A_36 = tpu.matmul %get3A_34, %convert_element_type3A, %dot_general3A_35 {dimension_numbers = #tpu.dot_dimension_numbers<[0], [0], [1], [1], [0, 1, 1, 1], [], []>, transpose_lhs_hint = false} : vector<256x64xi8>, vector<256x256xi8>, vector<64x256xi32> -> vector<64x256xi32>
    %slice3A_37 = vector.extract_strided_slice %dot_general3A_36 {offsets = [0, 0], sizes = [16, 256], strides = [1, 1]} : vector<64x256xi32> to vector<16x256xi32>
    %slice3A_38 = vector.extract_strided_slice %dot_general3A_36 {offsets = [16, 0], sizes = [16, 256], strides = [1, 1]} : vector<64x256xi32> to vector<16x256xi32>
    %slice3A_39 = vector.extract_strided_slice %dot_general3A_36 {offsets = [32, 0], sizes = [16, 256], strides = [1, 1]} : vector<64x256xi32> to vector<16x256xi32>
    %slice3A_40 = vector.extract_strided_slice %dot_general3A_36 {offsets = [48, 0], sizes = [16, 256], strides = [1, 1]} : vector<64x256xi32> to vector<16x256xi32>
    %concatenate3A_41 = tpu.concatenate %slice3A_37, %slice3A_38, %slice3A_39, %slice3A_40 in 1 : vector<16x256xi32>, vector<16x256xi32>, vector<16x256xi32>, vector<16x256xi32> -> vector<16x1024xi32>
    %convert_element_type3A_42 = arith.sitofp %concatenate3A_41 : vector<16x1024xi32> to vector<16x1024xf32>
    %get3A_43 = arith.constant 0 : index
    %get3A_44 = arith.constant 0 : index
    %get3A_45 = vector.load %arg4[%get3A_43, %get3A_44] : memref<1024x2048xf32, #tpu.memory_space<vmem>>, vector<1024x2048xf32>
    %dot_general3A_46 = arith.constant dense<0.000000e+00> : vector<16x2048xf32>
    %dot_general3A_47 = tpu.matmul %convert_element_type3A_42, %get3A_45, %dot_general3A_46 {dimension_numbers = #tpu.dot_dimension_numbers<[1], [0], [0], [1], [0, 0, 1, 1], [], []>, transpose_lhs_hint = false} : vector<16x1024xf32>, vector<1024x2048xf32>, vector<16x2048xf32> -> vector<16x2048xf32>
    %swap3A = arith.constant 0 : index
    %swap3A_48 = arith.constant 0 : index
    %swap3A_49 = arith.constant 0 : index
    %swap3A_50 = vector.load %arg5[%swap3A, %swap3A_48, %swap3A_49] : memref<4x16x2048xf32, #tpu.memory_space<vmem>>, vector<1x16x2048xf32>
    %swap3A_51 = vector.shape_cast %swap3A_50 : vector<1x16x2048xf32> to vector<16x2048xf32>
    %swap3A_52 = vector.shape_cast %dot_general3A_47 : vector<16x2048xf32> to vector<1x16x2048xf32>
    tpu.vector_store %arg5[%swap3A, %swap3A_48, %swap3A_49], %swap3A_52 {strides = array<i32>} : memref<4x16x2048xf32, #tpu.memory_space<vmem>>, vector<1x16x2048xf32>,
    %slice3A_53 = vector.extract_strided_slice %dot_general3A_5 {offsets = [4096, 0], sizes = [256, 64], strides = [1, 1]} : vector<16384x64xi32> to vector<256x64xi32>
    %slice3A_54 = vector.extract_strided_slice %dot_general3A_5 {offsets = [5120, 0], sizes = [256, 64], strides = [1, 1]} : vector<16384x64xi32> to vector<256x64xi32>
    %add3A_55 = arith.addi %slice3A_53, %slice3A_54 : vector<256x64xi32>
    %slice3A_56 = vector.extract_strided_slice %dot_general3A_5 {offsets = [6144, 0], sizes = [256, 64], strides = [1, 1]} : vector<16384x64xi32> to vector<256x64xi32>
    %add3A_57 = arith.addi %add3A_55, %slice3A_56 : vector<256x64xi32>
    %slice3A_58 = vector.extract_strided_slice %dot_general3A_5 {offsets = [7168, 0], sizes = [256, 64], strides = [1, 1]} : vector<16384x64xi32> to vector<256x64xi32>
    %add3A_59 = arith.addi %add3A_57, %slice3A_58 : vector<256x64xi32>
    %slice3A_60 = vector.extract_strided_slice %dot_general3A_5 {offsets = [4352, 0], sizes = [256, 64], strides = [1, 1]} : vector<16384x64xi32> to vector<256x64xi32>
    %slice3A_61 = vector.extract_strided_slice %dot_general3A_5 {offsets = [5376, 0], sizes = [256, 64], strides = [1, 1]} : vector<16384x64xi32> to vector<256x64xi32>
    %add3A_62 = arith.addi %slice3A_60, %slice3A_61 : vector<256x64xi32>
    %slice3A_63 = vector.extract_strided_slice %dot_general3A_5 {offsets = [6400, 0], sizes = [256, 64], strides = [1, 1]} : vector<16384x64xi32> to vector<256x64xi32>
    %add3A_64 = arith.addi %add3A_62, %slice3A_63 : vector<256x64xi32>
    %slice3A_65 = vector.extract_strided_slice %dot_general3A_5 {offsets = [7424, 0], sizes = [256, 64], strides = [1, 1]} : vector<16384x64xi32> to vector<256x64xi32>
    %add3A_66 = arith.addi %add3A_64, %slice3A_65 : vector<256x64xi32>
    %slice3A_67 = vector.extract_strided_slice %dot_general3A_5 {offsets = [4608, 0], sizes = [256, 64], strides = [1, 1]} : vector<16384x64xi32> to vector<256x64xi32>
    %slice3A_68 = vector.extract_strided_slice %dot_general3A_5 {offsets = [5632, 0], sizes = [256, 64], strides = [1, 1]} : vector<16384x64xi32> to vector<256x64xi32>
    %add3A_69 = arith.addi %slice3A_67, %slice3A_68 : vector<256x64xi32>
    %slice3A_70 = vector.extract_strided_slice %dot_general3A_5 {offsets = [6656, 0], sizes = [256, 64], strides = [1, 1]} : vector<16384x64xi32> to vector<256x64xi32>
    %add3A_71 = arith.addi %add3A_69, %slice3A_70 : vector<256x64xi32>
    %slice3A_72 = vector.extract_strided_slice %dot_general3A_5 {offsets = [7680, 0], sizes = [256, 64], strides = [1, 1]} : vector<16384x64xi32> to vector<256x64xi32>
    %add3A_73 = arith.addi %add3A_71, %slice3A_72 : vector<256x64xi32>
    %slice3A_74 = vector.extract_strided_slice %dot_general3A_5 {offsets = [4864, 0], sizes = [256, 64], strides = [1, 1]} : vector<16384x64xi32> to vector<256x64xi32>
    %slice3A_75 = vector.extract_strided_slice %dot_general3A_5 {offsets = [5888, 0], sizes = [256, 64], strides = [1, 1]} : vector<16384x64xi32> to vector<256x64xi32>
    %add3A_76 = arith.addi %slice3A_74, %slice3A_75 : vector<256x64xi32>
    %slice3A_77 = vector.extract_strided_slice %dot_general3A_5 {offsets = [6912, 0], sizes = [256, 64], strides = [1, 1]} : vector<16384x64xi32> to vector<256x64xi32>
    %add3A_78 = arith.addi %add3A_76, %slice3A_77 : vector<256x64xi32>
    %slice3A_79 = vector.extract_strided_slice %dot_general3A_5 {offsets = [7936, 0], sizes = [256, 64], strides = [1, 1]} : vector<16384x64xi32> to vector<256x64xi32>
    %add3A_80 = arith.addi %add3A_78, %slice3A_79 : vector<256x64xi32>
    %concatenate3A_81 = tpu.concatenate %add3A_59, %add3A_66, %add3A_73, %add3A_80 in 1 : vector<256x64xi32>, vector<256x64xi32>, vector<256x64xi32>, vector<256x64xi32> -> vector<256x256xi32>
    %convert_element_type3A_82 = arith.trunci %concatenate3A_81 : vector<256x256xi32> to vector<256x256xi8>
    %get3A_83 = arith.constant 0 : index
    %get3A_84 = arith.constant 0 : index
    %get3A_85 = vector.load %arg3[%get3A_83, %get3A_84] : memref<256x64xi8, #tpu.memory_space<vmem>>, vector<256x64xi8>
    %dot_general3A_86 = arith.constant dense<0> : vector<64x256xi32>
    %dot_general3A_87 = tpu.matmul %get3A_85, %convert_element_type3A_82, %dot_general3A_86 {dimension_numbers = #tpu.dot_dimension_numbers<[0], [0], [1], [1], [0, 1, 1, 1], [], []>, transpose_lhs_hint = false} : vector<256x64xi8>, vector<256x256xi8>, vector<64x256xi32> -> vector<64x256xi32>
    %slice3A_88 = vector.extract_strided_slice %dot_general3A_87 {offsets = [0, 0], sizes = [16, 256], strides = [1, 1]} : vector<64x256xi32> to vector<16x256xi32>
    %slice3A_89 = vector.extract_strided_slice %dot_general3A_87 {offsets = [16, 0], sizes = [16, 256], strides = [1, 1]} : vector<64x256xi32> to vector<16x256xi32>
    %slice3A_90 = vector.extract_strided_slice %dot_general3A_87 {offsets = [32, 0], sizes = [16, 256], strides = [1, 1]} : vector<64x256xi32> to vector<16x256xi32>
    %slice3A_91 = vector.extract_strided_slice %dot_general3A_87 {offsets = [48, 0], sizes = [16, 256], strides = [1, 1]} : vector<64x256xi32> to vector<16x256xi32>
    %concatenate3A_92 = tpu.concatenate %slice3A_88, %slice3A_89, %slice3A_90, %slice3A_91 in 1 : vector<16x256xi32>, vector<16x256xi32>, vector<16x256xi32>, vector<16x256xi32> -> vector<16x1024xi32>
    %convert_element_type3A_93 = arith.sitofp %concatenate3A_92 : vector<16x1024xi32> to vector<16x1024xf32>
    %get3A_94 = arith.constant 0 : index
    %get3A_95 = arith.constant 0 : index
    %get3A_96 = vector.load %arg4[%get3A_94, %get3A_95] : memref<1024x2048xf32, #tpu.memory_space<vmem>>, vector<1024x2048xf32>
    %dot_general3A_97 = arith.constant dense<0.000000e+00> : vector<16x2048xf32>
    %dot_general3A_98 = tpu.matmul %convert_element_type3A_93, %get3A_96, %dot_general3A_97 {dimension_numbers = #tpu.dot_dimension_numbers<[1], [0], [0], [1], [0, 0, 1, 1], [], []>, transpose_lhs_hint = false} : vector<16x1024xf32>, vector<1024x2048xf32>, vector<16x2048xf32> -> vector<16x2048xf32>
    %swap3A_99 = arith.constant 1 : index
    %swap3A_100 = arith.constant 0 : index
    %swap3A_101 = arith.constant 0 : index
    %swap3A_102 = vector.load %arg5[%swap3A_99, %swap3A_100, %swap3A_101] : memref<4x16x2048xf32, #tpu.memory_space<vmem>>, vector<1x16x2048xf32>
    %swap3A_103 = vector.shape_cast %swap3A_102 : vector<1x16x2048xf32> to vector<16x2048xf32>
    %swap3A_104 = vector.shape_cast %dot_general3A_98 : vector<16x2048xf32> to vector<1x16x2048xf32>
    tpu.vector_store %arg5[%swap3A_99, %swap3A_100, %swap3A_101], %swap3A_104 {strides = array<i32>} : memref<4x16x2048xf32, #tpu.memory_space<vmem>>, vector<1x16x2048xf32>,
    %slice3A_105 = vector.extract_strided_slice %dot_general3A_5 {offsets = [8192, 0], sizes = [256, 64], strides = [1, 1]} : vector<16384x64xi32> to vector<256x64xi32>
    %slice3A_106 = vector.extract_strided_slice %dot_general3A_5 {offsets = [9216, 0], sizes = [256, 64], strides = [1, 1]} : vector<16384x64xi32> to vector<256x64xi32>
    %add3A_107 = arith.addi %slice3A_105, %slice3A_106 : vector<256x64xi32>
    %slice3A_108 = vector.extract_strided_slice %dot_general3A_5 {offsets = [10240, 0], sizes = [256, 64], strides = [1, 1]} : vector<16384x64xi32> to vector<256x64xi32>
    %add3A_109 = arith.addi %add3A_107, %slice3A_108 : vector<256x64xi32>
    %slice3A_110 = vector.extract_strided_slice %dot_general3A_5 {offsets = [11264, 0], sizes = [256, 64], strides = [1, 1]} : vector<16384x64xi32> to vector<256x64xi32>
    %add3A_111 = arith.addi %add3A_109, %slice3A_110 : vector<256x64xi32>
    %slice3A_112 = vector.extract_strided_slice %dot_general3A_5 {offsets = [8448, 0], sizes = [256, 64], strides = [1, 1]} : vector<16384x64xi32> to vector<256x64xi32>
    %slice3A_113 = vector.extract_strided_slice %dot_general3A_5 {offsets = [9472, 0], sizes = [256, 64], strides = [1, 1]} : vector<16384x64xi32> to vector<256x64xi32>
    %add3A_114 = arith.addi %slice3A_112, %slice3A_113 : vector<256x64xi32>
    %slice3A_115 = vector.extract_strided_slice %dot_general3A_5 {offsets = [10496, 0], sizes = [256, 64], strides = [1, 1]} : vector<16384x64xi32> to vector<256x64xi32>
    %add3A_116 = arith.addi %add3A_114, %slice3A_115 : vector<256x64xi32>
    %slice3A_117 = vector.extract_strided_slice %dot_general3A_5 {offsets = [11520, 0], sizes = [256, 64], strides = [1, 1]} : vector<16384x64xi32> to vector<256x64xi32>
    %add3A_118 = arith.addi %add3A_116, %slice3A_117 : vector<256x64xi32>
    %slice3A_119 = vector.extract_strided_slice %dot_general3A_5 {offsets = [8704, 0], sizes = [256, 64], strides = [1, 1]} : vector<16384x64xi32> to vector<256x64xi32>
    %slice3A_120 = vector.extract_strided_slice %dot_general3A_5 {offsets = [9728, 0], sizes = [256, 64], strides = [1, 1]} : vector<16384x64xi32> to vector<256x64xi32>
    %add3A_121 = arith.addi %slice3A_119, %slice3A_120 : vector<256x64xi32>
    %slice3A_122 = vector.extract_strided_slice %dot_general3A_5 {offsets = [10752, 0], sizes = [256, 64], strides = [1, 1]} : vector<16384x64xi32> to vector<256x64xi32>
    %add3A_123 = arith.addi %add3A_121, %slice3A_122 : vector<256x64xi32>
    %slice3A_124 = vector.extract_strided_slice %dot_general3A_5 {offsets = [11776, 0], sizes = [256, 64], strides = [1, 1]} : vector<16384x64xi32> to vector<256x64xi32>
    %add3A_125 = arith.addi %add3A_123, %slice3A_124 : vector<256x64xi32>
    %slice3A_126 = vector.extract_strided_slice %dot_general3A_5 {offsets = [8960, 0], sizes = [256, 64], strides = [1, 1]} : vector<16384x64xi32> to vector<256x64xi32>
    %slice3A_127 = vector.extract_strided_slice %dot_general3A_5 {offsets = [9984, 0], sizes = [256, 64], strides = [1, 1]} : vector<16384x64xi32> to vector<256x64xi32>
    %add3A_128 = arith.addi %slice3A_126, %slice3A_127 : vector<256x64xi32>
    %slice3A_129 = vector.extract_strided_slice %dot_general3A_5 {offsets = [11008, 0], sizes = [256, 64], strides = [1, 1]} : vector<16384x64xi32> to vector<256x64xi32>
    %add3A_130 = arith.addi %add3A_128, %slice3A_129 : vector<256x64xi32>
    %slice3A_131 = vector.extract_strided_slice %dot_general3A_5 {offsets = [12032, 0], sizes = [256, 64], strides = [1, 1]} : vector<16384x64xi32> to vector<256x64xi32>
    %add3A_132 = arith.addi %add3A_130, %slice3A_131 : vector<256x64xi32>
    %concatenate3A_133 = tpu.concatenate %add3A_111, %add3A_118, %add3A_125, %add3A_132 in 1 : vector<256x64xi32>, vector<256x64xi32>, vector<256x64xi32>, vector<256x64xi32> -> vector<256x256xi32>
    %convert_element_type3A_134 = arith.trunci %concatenate3A_133 : vector<256x256xi32> to vector<256x256xi8>
    %get3A_135 = arith.constant 0 : index
    %get3A_136 = arith.constant 0 : index
    %get3A_137 = vector.load %arg3[%get3A_135, %get3A_136] : memref<256x64xi8, #tpu.memory_space<vmem>>, vector<256x64xi8>
    %dot_general3A_138 = arith.constant dense<0> : vector<64x256xi32>
    %dot_general3A_139 = tpu.matmul %get3A_137, %convert_element_type3A_134, %dot_general3A_138 {dimension_numbers = #tpu.dot_dimension_numbers<[0], [0], [1], [1], [0, 1, 1, 1], [], []>, transpose_lhs_hint = false} : vector<256x64xi8>, vector<256x256xi8>, vector<64x256xi32> -> vector<64x256xi32>
    %slice3A_140 = vector.extract_strided_slice %dot_general3A_139 {offsets = [0, 0], sizes = [16, 256], strides = [1, 1]} : vector<64x256xi32> to vector<16x256xi32>
    %slice3A_141 = vector.extract_strided_slice %dot_general3A_139 {offsets = [16, 0], sizes = [16, 256], strides = [1, 1]} : vector<64x256xi32> to vector<16x256xi32>
    %slice3A_142 = vector.extract_strided_slice %dot_general3A_139 {offsets = [32, 0], sizes = [16, 256], strides = [1, 1]} : vector<64x256xi32> to vector<16x256xi32>
    %slice3A_143 = vector.extract_strided_slice %dot_general3A_139 {offsets = [48, 0], sizes = [16, 256], strides = [1, 1]} : vector<64x256xi32> to vector<16x256xi32>
    %concatenate3A_144 = tpu.concatenate %slice3A_140, %slice3A_141, %slice3A_142, %slice3A_143 in 1 : vector<16x256xi32>, vector<16x256xi32>, vector<16x256xi32>, vector<16x256xi32> -> vector<16x1024xi32>
    %convert_element_type3A_145 = arith.sitofp %concatenate3A_144 : vector<16x1024xi32> to vector<16x1024xf32>
    %get3A_146 = arith.constant 0 : index
    %get3A_147 = arith.constant 0 : index
    %get3A_148 = vector.load %arg4[%get3A_146, %get3A_147] : memref<1024x2048xf32, #tpu.memory_space<vmem>>, vector<1024x2048xf32>
    %dot_general3A_149 = arith.constant dense<0.000000e+00> : vector<16x2048xf32>
    %dot_general3A_150 = tpu.matmul %convert_element_type3A_145, %get3A_148, %dot_general3A_149 {dimension_numbers = #tpu.dot_dimension_numbers<[1], [0], [0], [1], [0, 0, 1, 1], [], []>, transpose_lhs_hint = false} : vector<16x1024xf32>, vector<1024x2048xf32>, vector<16x2048xf32> -> vector<16x2048xf32>
    %swap3A_151 = arith.constant 2 : index
    %swap3A_152 = arith.constant 0 : index
    %swap3A_153 = arith.constant 0 : index
    %swap3A_154 = vector.load %arg5[%swap3A_151, %swap3A_152, %swap3A_153] : memref<4x16x2048xf32, #tpu.memory_space<vmem>>, vector<1x16x2048xf32>
    %swap3A_155 = vector.shape_cast %swap3A_154 : vector<1x16x2048xf32> to vector<16x2048xf32>
    %swap3A_156 = vector.shape_cast %dot_general3A_150 : vector<16x2048xf32> to vector<1x16x2048xf32>
    tpu.vector_store %arg5[%swap3A_151, %swap3A_152, %swap3A_153], %swap3A_156 {strides = array<i32>} : memref<4x16x2048xf32, #tpu.memory_space<vmem>>, vector<1x16x2048xf32>,
    %slice3A_157 = vector.extract_strided_slice %dot_general3A_5 {offsets = [12288, 0], sizes = [256, 64], strides = [1, 1]} : vector<16384x64xi32> to vector<256x64xi32>
    %slice3A_158 = vector.extract_strided_slice %dot_general3A_5 {offsets = [13312, 0], sizes = [256, 64], strides = [1, 1]} : vector<16384x64xi32> to vector<256x64xi32>
    %add3A_159 = arith.addi %slice3A_157, %slice3A_158 : vector<256x64xi32>
    %slice3A_160 = vector.extract_strided_slice %dot_general3A_5 {offsets = [14336, 0], sizes = [256, 64], strides = [1, 1]} : vector<16384x64xi32> to vector<256x64xi32>
    %add3A_161 = arith.addi %add3A_159, %slice3A_160 : vector<256x64xi32>
    %slice3A_162 = vector.extract_strided_slice %dot_general3A_5 {offsets = [15360, 0], sizes = [256, 64], strides = [1, 1]} : vector<16384x64xi32> to vector<256x64xi32>
    %add3A_163 = arith.addi %add3A_161, %slice3A_162 : vector<256x64xi32>
    %slice3A_164 = vector.extract_strided_slice %dot_general3A_5 {offsets = [12544, 0], sizes = [256, 64], strides = [1, 1]} : vector<16384x64xi32> to vector<256x64xi32>
    %slice3A_165 = vector.extract_strided_slice %dot_general3A_5 {offsets = [13568, 0], sizes = [256, 64], strides = [1, 1]} : vector<16384x64xi32> to vector<256x64xi32>
    %add3A_166 = arith.addi %slice3A_164, %slice3A_165 : vector<256x64xi32>
    %slice3A_167 = vector.extract_strided_slice %dot_general3A_5 {offsets = [14592, 0], sizes = [256, 64], strides = [1, 1]} : vector<16384x64xi32> to vector<256x64xi32>
    %add3A_168 = arith.addi %add3A_166, %slice3A_167 : vector<256x64xi32>
    %slice3A_169 = vector.extract_strided_slice %dot_general3A_5 {offsets = [15616, 0], sizes = [256, 64], strides = [1, 1]} : vector<16384x64xi32> to vector<256x64xi32>
    %add3A_170 = arith.addi %add3A_168, %slice3A_169 : vector<256x64xi32>
    %slice3A_171 = vector.extract_strided_slice %dot_general3A_5 {offsets = [12800, 0], sizes = [256, 64], strides = [1, 1]} : vector<16384x64xi32> to vector<256x64xi32>
    %slice3A_172 = vector.extract_strided_slice %dot_general3A_5 {offsets = [13824, 0], sizes = [256, 64], strides = [1, 1]} : vector<16384x64xi32> to vector<256x64xi32>
    %add3A_173 = arith.addi %slice3A_171, %slice3A_172 : vector<256x64xi32>
    %slice3A_174 = vector.extract_strided_slice %dot_general3A_5 {offsets = [14848, 0], sizes = [256, 64], strides = [1, 1]} : vector<16384x64xi32> to vector<256x64xi32>
    %add3A_175 = arith.addi %add3A_173, %slice3A_174 : vector<256x64xi32>
    %slice3A_176 = vector.extract_strided_slice %dot_general3A_5 {offsets = [15872, 0], sizes = [256, 64], strides = [1, 1]} : vector<16384x64xi32> to vector<256x64xi32>
    %add3A_177 = arith.addi %add3A_175, %slice3A_176 : vector<256x64xi32>
    %slice3A_178 = vector.extract_strided_slice %dot_general3A_5 {offsets = [13056, 0], sizes = [256, 64], strides = [1, 1]} : vector<16384x64xi32> to vector<256x64xi32>
    %slice3A_179 = vector.extract_strided_slice %dot_general3A_5 {offsets = [14080, 0], sizes = [256, 64], strides = [1, 1]} : vector<16384x64xi32> to vector<256x64xi32>
    %add3A_180 = arith.addi %slice3A_178, %slice3A_179 : vector<256x64xi32>
    %slice3A_181 = vector.extract_strided_slice %dot_general3A_5 {offsets = [15104, 0], sizes = [256, 64], strides = [1, 1]} : vector<16384x64xi32> to vector<256x64xi32>
    %add3A_182 = arith.addi %add3A_180, %slice3A_181 : vector<256x64xi32>
    %slice3A_183 = vector.extract_strided_slice %dot_general3A_5 {offsets = [16128, 0], sizes = [256, 64], strides = [1, 1]} : vector<16384x64xi32> to vector<256x64xi32>
    %add3A_184 = arith.addi %add3A_182, %slice3A_183 : vector<256x64xi32>
    %concatenate3A_185 = tpu.concatenate %add3A_163, %add3A_170, %add3A_177, %add3A_184 in 1 : vector<256x64xi32>, vector<256x64xi32>, vector<256x64xi32>, vector<256x64xi32> -> vector<256x256xi32>
    %convert_element_type3A_186 = arith.trunci %concatenate3A_185 : vector<256x256xi32> to vector<256x256xi8>
    %get3A_187 = arith.constant 0 : index
    %get3A_188 = arith.constant 0 : index
    %get3A_189 = vector.load %arg3[%get3A_187, %get3A_188] : memref<256x64xi8, #tpu.memory_space<vmem>>, vector<256x64xi8>
    %dot_general3A_190 = arith.constant dense<0> : vector<64x256xi32>
    %dot_general3A_191 = tpu.matmul %get3A_189, %convert_element_type3A_186, %dot_general3A_190 {dimension_numbers = #tpu.dot_dimension_numbers<[0], [0], [1], [1], [0, 1, 1, 1], [], []>, transpose_lhs_hint = false} : vector<256x64xi8>, vector<256x256xi8>, vector<64x256xi32> -> vector<64x256xi32>
    %slice3A_192 = vector.extract_strided_slice %dot_general3A_191 {offsets = [0, 0], sizes = [16, 256], strides = [1, 1]} : vector<64x256xi32> to vector<16x256xi32>
    %slice3A_193 = vector.extract_strided_slice %dot_general3A_191 {offsets = [16, 0], sizes = [16, 256], strides = [1, 1]} : vector<64x256xi32> to vector<16x256xi32>
    %slice3A_194 = vector.extract_strided_slice %dot_general3A_191 {offsets = [32, 0], sizes = [16, 256], strides = [1, 1]} : vector<64x256xi32> to vector<16x256xi32>
    %slice3A_195 = vector.extract_strided_slice %dot_general3A_191 {offsets = [48, 0], sizes = [16, 256], strides = [1, 1]} : vector<64x256xi32> to vector<16x256xi32>
    %concatenate3A_196 = tpu.concatenate %slice3A_192, %slice3A_193, %slice3A_194, %slice3A_195 in 1 : vector<16x256xi32>, vector<16x256xi32>, vector<16x256xi32>, vector<16x256xi32> -> vector<16x1024xi32>
    %convert_element_type3A_197 = arith.sitofp %concatenate3A_196 : vector<16x1024xi32> to vector<16x1024xf32>
    %get3A_198 = arith.constant 0 : index
    %get3A_199 = arith.constant 0 : index
    %get3A_200 = vector.load %arg4[%get3A_198, %get3A_199] : memref<1024x2048xf32, #tpu.memory_space<vmem>>, vector<1024x2048xf32>
    %dot_general3A_201 = arith.constant dense<0.000000e+00> : vector<16x2048xf32>
    %dot_general3A_202 = tpu.matmul %convert_element_type3A_197, %get3A_200, %dot_general3A_201 {dimension_numbers = #tpu.dot_dimension_numbers<[1], [0], [0], [1], [0, 0, 1, 1], [], []>, transpose_lhs_hint = false} : vector<16x1024xf32>, vector<1024x2048xf32>, vector<16x2048xf32> -> vector<16x2048xf32>
    %swap3A_203 = arith.constant 3 : index
    %swap3A_204 = arith.constant 0 : index
    %swap3A_205 = arith.constant 0 : index
    %swap3A_206 = vector.load %arg5[%swap3A_203, %swap3A_204, %swap3A_205] : memref<4x16x2048xf32, #tpu.memory_space<vmem>>, vector<1x16x2048xf32>
    %swap3A_207 = vector.shape_cast %swap3A_206 : vector<1x16x2048xf32> to vector<16x2048xf32>
    %swap3A_208 = vector.shape_cast %dot_general3A_202 : vector<16x2048xf32> to vector<1x16x2048xf32>
    tpu.vector_store %arg5[%swap3A_203, %swap3A_204, %swap3A_205], %swap3A_208 {strides = array<i32>} : memref<4x16x2048xf32, #tpu.memory_space<vmem>>, vector<1x16x2048xf32>,
    return
  }
  func.func @transform_0(%arg0: i32) -> (i32, i32) {
    %c0_i32 = arith.constant 0 : i32
    %c0_i32_0 = arith.constant 0 : i32
    return %arg0, %c0_i32 : i32, i32
  }
  func.func @transform_1(%arg0: i32) -> (i32, i32) {
    %c0_i32 = arith.constant 0 : i32
    %c0_i32_0 = arith.constant 0 : i32
    %c0_i32_1 = arith.constant 0 : i32
    return %c0_i32, %c0_i32_0 : i32, i32
  }
  func.func @transform_2(%arg0: i32) -> (i32, i32) {
    %c0_i32 = arith.constant 0 : i32
    %c0_i32_0 = arith.constant 0 : i32
    %c0_i32_1 = arith.constant 0 : i32
    return %c0_i32, %c0_i32_0 : i32, i32
  }
  func.func @transform_3(%arg0: i32) -> (i32, i32) {
    %c0_i32 = arith.constant 0 : i32
    %c0_i32_0 = arith.constant 0 : i32
    %c0_i32_1 = arith.constant 0 : i32
    return %c0_i32, %c0_i32_0 : i32, i32
  }
  func.func @transform_4(%arg0: i32) -> (i32, i32, i32) {
    %c0_i32 = arith.constant 0 : i32
    %c0_i32_0 = arith.constant 0 : i32
    %c0_i32_1 = arith.constant 0 : i32
    return %arg0, %c0_i32, %c0_i32_0 : i32, i32, i32
  }
}

module attributes {stable_mosaic.version = 14 : i64} {
  func.func @_vq_body(%arg0: i32, %arg1: i32, %arg2: memref<1024x128xf32, #tpu.memory_space<vmem>>, %arg3: memref<1x64xf32, #tpu.memory_space<vmem>>, %arg4: memref<1024x64xf32, #tpu.memory_space<vmem>>, %arg5: memref<1024x64xf32, #tpu.memory_space<vmem>>, %arg6: memref<1024x1xi32, #tpu.memory_space<vmem>>, %arg7: memref<1024x1xf32, #tpu.memory_space<vmem>>, %arg8: memref<1024x64xf32, #tpu.memory_space<vmem>>, %arg9: memref<1024x1xf32, #tpu.memory_space<vmem>>, %arg10: memref<1024x1xi32, #tpu.memory_space<vmem>>) attributes {dimension_semantics = [#tpu.dimension_semantics<arbitrary>, #tpu.dimension_semantics<arbitrary>], iteration_bounds = array<i64: 4, 8>, scalar_prefetch = 0 : i64, scratch_operands = 3 : i64, tpu.core_type = #tpu.core_type<tc>, window_params = [{transform_indices = @transform_0, window_bounds = array<i64: 1024, 128>}, {pipeline_mode = #tpu.pipeline_mode<synchronous>, transform_indices = @transform_1, window_bounds = array<i64: 1, 64>}, {transform_indices = @transform_2, window_bounds = array<i64: 1024, 64>}, {transform_indices = @transform_3, window_bounds = array<i64: 1024, 64>}, {transform_indices = @transform_4, window_bounds = array<i64: 1024, 1>}, {transform_indices = @transform_5, window_bounds = array<i64: 1024, 1>}]} {
    %eq3A = arith.constant 0 : i32
    %eq3A_0 = arith.cmpi eq, %arg1, %eq3A : i32
    %convert_element_type3A = arith.extui %eq3A_0 : i1 to i32
    %cond3A = arith.constant 0 : i32
    %cond3A_1 = arith.cmpi ne, %convert_element_type3A, %cond3A : i32
    scf.if %cond3A_1 {
      %get3A_53 = arith.constant 0 : index
      %get3A_54 = arith.constant 0 : index
      %get3A_55 = vector.load %arg2[%get3A_53, %get3A_54] : memref<1024x128xf32, #tpu.memory_space<vmem>>, vector<1024x64xf32>
      %get3A_56 = arith.constant 0 : index
      %get3A_57 = arith.constant 0 : index
      %get3A_58 = vector.load %arg3[%get3A_56, %get3A_57] : memref<1x64xf32, #tpu.memory_space<vmem>>, vector<1x64xf32>
      %add3A_59 = vector.broadcast %get3A_58 : vector<1x64xf32> to vector<1024x64xf32>
      %add3A_60 = arith.addf %get3A_55, %add3A_59 : vector<1024x64xf32>
      %swap3A_61 = arith.constant 0 : index
      %swap3A_62 = arith.constant 0 : index
      %swap3A_63 = vector.load %arg8[%swap3A_61, %swap3A_62] : memref<1024x64xf32, #tpu.memory_space<vmem>>, vector<1024x64xf32>
      tpu.vector_store %arg8[%swap3A_61, %swap3A_62], %add3A_60 {strides = array<i32>} : memref<1024x64xf32, #tpu.memory_space<vmem>>, vector<1024x64xf32>,
      %swap3A_64 = arith.constant 0 : index
      %swap3A_65 = arith.constant 0 : index
      %swap3A_66 = vector.load %arg5[%swap3A_64, %swap3A_65] : memref<1024x64xf32, #tpu.memory_space<vmem>>, vector<1024x64xf32>
      tpu.vector_store %arg5[%swap3A_64, %swap3A_65], %add3A_60 {strides = array<i32>} : memref<1024x64xf32, #tpu.memory_space<vmem>>, vector<1024x64xf32>,
      %broadcast_in_dim3A_67 = arith.constant 0x7F800000 : f32
      %broadcast_in_dim3A_68 = vector.broadcast %broadcast_in_dim3A_67 : f32 to vector<1024x1xf32>
      %swap3A_69 = arith.constant 0 : index
      %swap3A_70 = arith.constant 0 : index
      %swap3A_71 = vector.load %arg9[%swap3A_69, %swap3A_70] : memref<1024x1xf32, #tpu.memory_space<vmem>>, vector<1024x1xf32>
      tpu.vector_store %arg9[%swap3A_69, %swap3A_70], %broadcast_in_dim3A_68 {strides = array<i32>} : memref<1024x1xf32, #tpu.memory_space<vmem>>, vector<1024x1xf32>,
      %broadcast_in_dim3A_72 = arith.constant 0 : i32
      %broadcast_in_dim3A_73 = vector.broadcast %broadcast_in_dim3A_72 : i32 to vector<1024x1xi32>
      %swap3A_74 = arith.constant 0 : index
      %swap3A_75 = arith.constant 0 : index
      %swap3A_76 = vector.load %arg10[%swap3A_74, %swap3A_75] : memref<1024x1xi32, #tpu.memory_space<vmem>>, vector<1024x1xi32>
      tpu.vector_store %arg10[%swap3A_74, %swap3A_75], %broadcast_in_dim3A_73 {strides = array<i32>} : memref<1024x1xi32, #tpu.memory_space<vmem>>, vector<1024x1xi32>,
    } else {
    }
    %get3A = arith.constant 0 : index
    %get3A_2 = arith.constant 0 : index
    %get3A_3 = vector.load %arg8[%get3A, %get3A_2] : memref<1024x64xf32, #tpu.memory_space<vmem>>, vector<1024x64xf32>
    %mul3A = arith.mulf %get3A_3, %get3A_3 : vector<1024x64xf32>
    %reduce_sum3A = arith.constant dense<0.000000e+00> : vector<1024xf32>
    %reduce_sum3A_4 = vector.multi_reduction <add>, %mul3A, %reduce_sum3A [1] : vector<1024x64xf32> to vector<1024xf32>
    %broadcast_in_dim3A = vector.shape_cast %reduce_sum3A_4 : vector<1024xf32> to vector<1024x1xf32>
    %get3A_5 = arith.constant 0 : index
    %get3A_6 = arith.constant 0 : index
    %get3A_7 = vector.load %arg4[%get3A_5, %get3A_6] : memref<1024x64xf32, #tpu.memory_space<vmem>>, vector<1024x64xf32>
    %broadcast_in_dim3A_8 = arith.constant 1.000000e+00 : f32
    %broadcast_in_dim3A_9 = vector.broadcast %broadcast_in_dim3A_8 : f32 to vector<1x64xf32>
    %mul3A_10 = arith.mulf %get3A_7, %get3A_7 : vector<1024x64xf32>
    %dot_general3A = arith.constant dense<0.000000e+00> : vector<1x1024xf32>
    %dot_general3A_11 = tpu.matmul %broadcast_in_dim3A_9, %mul3A_10, %dot_general3A {dimension_numbers = #tpu.dot_dimension_numbers<[1], [1], [0], [0], [0, 0, 1, 0], [], []>, transpose_lhs_hint = false} : vector<1x64xf32>, vector<1024x64xf32>, vector<1x1024xf32> -> vector<1x1024xf32>
    %mul3A_12 = arith.constant -2.000000e+00 : f32
    %mul3A_13 = vector.broadcast %mul3A_12 : f32 to vector<1024x64xf32>
    %mul3A_14 = arith.mulf %mul3A_13, %get3A_3 : vector<1024x64xf32>
    %dot_general3A_15 = arith.constant dense<0.000000e+00> : vector<1024x1024xf32>
    %dot_general3A_16 = tpu.matmul %mul3A_14, %get3A_7, %dot_general3A_15 {dimension_numbers = #tpu.dot_dimension_numbers<[1], [1], [0], [0], [0, 0, 1, 0], [], []>, transpose_lhs_hint = false} : vector<1024x64xf32>, vector<1024x64xf32>, vector<1024x1024xf32> -> vector<1024x1024xf32>
    %add3A = vector.broadcast %broadcast_in_dim3A : vector<1024x1xf32> to vector<1024x1024xf32>
    %add3A_17 = arith.addf %add3A, %dot_general3A_16 : vector<1024x1024xf32>
    %add3A_18 = vector.broadcast %dot_general3A_11 : vector<1x1024xf32> to vector<1024x1024xf32>
    %add3A_19 = arith.addf %add3A_17, %add3A_18 : vector<1024x1024xf32>
    %reduce_min3A = arith.constant dense<0x7F800000> : vector<1024xf32>
    %reduce_min3A_20 = vector.multi_reduction <minimumf>, %add3A_19, %reduce_min3A [1] : vector<1024x1024xf32> to vector<1024xf32>
    %broadcast_in_dim3A_21 = vector.shape_cast %reduce_min3A_20 : vector<1024xf32> to vector<1024x1xf32>
    %iota3A = tpu.iota {dimensions = array<i32: 1>} : vector<1024x1024xi32>
    %eq3A_22 = vector.broadcast %broadcast_in_dim3A_21 : vector<1024x1xf32> to vector<1024x1024xf32>
    %eq3A_23 = arith.cmpf oeq, %add3A_19, %eq3A_22 : vector<1024x1024xf32>
    %jit3A = arith.constant 1073741824 : i32
    %broadcast_in_dim3A_24 = vector.broadcast %jit3A : i32 to vector<1024x1024xi32>
    %select_n3A = arith.select %eq3A_23, %iota3A, %broadcast_in_dim3A_24 : vector<1024x1024xi1>, vector<1024x1024xi32>
    %reduce_min3A_25 = arith.constant dense<2147483647> : vector<1024xi32>
    %reduce_min3A_26 = vector.multi_reduction <minsi>, %select_n3A, %reduce_min3A_25 [1] : vector<1024x1024xi32> to vector<1024xi32>
    %broadcast_in_dim3A_27 = vector.shape_cast %reduce_min3A_26 : vector<1024xi32> to vector<1024x1xi32>
    %get3A_28 = arith.constant 0 : index
    %get3A_29 = arith.constant 0 : index
    %get3A_30 = vector.load %arg9[%get3A_28, %get3A_29] : memref<1024x1xf32, #tpu.memory_space<vmem>>, vector<1024x1xf32>
    %lt3A = arith.cmpf olt, %broadcast_in_dim3A_21, %get3A_30 : vector<1024x1xf32>
    %mul3A_31 = arith.constant 1024 : i32
    %mul3A_32 = arith.muli %arg1, %mul3A_31 : i32
    %add3A_33 = vector.broadcast %mul3A_32 : i32 to vector<1024x1xi32>
    %add3A_34 = arith.addi %broadcast_in_dim3A_27, %add3A_33 : vector<1024x1xi32>
    %get3A_35 = arith.constant 0 : index
    %get3A_36 = arith.constant 0 : index
    %get3A_37 = vector.load %arg10[%get3A_35, %get3A_36] : memref<1024x1xi32, #tpu.memory_space<vmem>>, vector<1024x1xi32>
    %select_n3A_38 = arith.select %lt3A, %add3A_34, %get3A_37 : vector<1024x1xi1>, vector<1024x1xi32>
    %swap3A = arith.constant 0 : index
    %swap3A_39 = arith.constant 0 : index
    %swap3A_40 = vector.load %arg10[%swap3A, %swap3A_39] : memref<1024x1xi32, #tpu.memory_space<vmem>>, vector<1024x1xi32>
    tpu.vector_store %arg10[%swap3A, %swap3A_39], %select_n3A_38 {strides = array<i32>} : memref<1024x1xi32, #tpu.memory_space<vmem>>, vector<1024x1xi32>,
    %get3A_41 = arith.constant 0 : index
    %get3A_42 = arith.constant 0 : index
    %get3A_43 = vector.load %arg9[%get3A_41, %get3A_42] : memref<1024x1xf32, #tpu.memory_space<vmem>>, vector<1024x1xf32>
    %select_n3A_44 = arith.select %lt3A, %broadcast_in_dim3A_21, %get3A_43 : vector<1024x1xi1>, vector<1024x1xf32>
    %swap3A_45 = arith.constant 0 : index
    %swap3A_46 = arith.constant 0 : index
    %swap3A_47 = vector.load %arg9[%swap3A_45, %swap3A_46] : memref<1024x1xf32, #tpu.memory_space<vmem>>, vector<1024x1xf32>
    tpu.vector_store %arg9[%swap3A_45, %swap3A_46], %select_n3A_44 {strides = array<i32>} : memref<1024x1xf32, #tpu.memory_space<vmem>>, vector<1024x1xf32>,
    %eq3A_48 = arith.constant 7 : i32
    %eq3A_49 = arith.cmpi eq, %arg1, %eq3A_48 : i32
    %convert_element_type3A_50 = arith.extui %eq3A_49 : i1 to i32
    %cond3A_51 = arith.constant 0 : i32
    %cond3A_52 = arith.cmpi ne, %convert_element_type3A_50, %cond3A_51 : i32
    scf.if %cond3A_52 {
      %get3A_53 = arith.constant 0 : index
      %get3A_54 = arith.constant 64 : index
      %get3A_55 = vector.load %arg2[%get3A_53, %get3A_54] : memref<1024x128xf32, #tpu.memory_space<vmem>>, vector<1024x1xf32>
      %gt3A = arith.constant 0.000000e+00 : f32
      %gt3A_56 = vector.broadcast %gt3A : f32 to vector<1024x1xf32>
      %gt3A_57 = arith.cmpf ogt, %get3A_55, %gt3A_56 : vector<1024x1xf32>
      %get3A_58 = arith.constant 0 : index
      %get3A_59 = arith.constant 0 : index
      %get3A_60 = vector.load %arg10[%get3A_58, %get3A_59] : memref<1024x1xi32, #tpu.memory_space<vmem>>, vector<1024x1xi32>
      %add3A_61 = arith.constant 1 : i32
      %add3A_62 = vector.broadcast %add3A_61 : i32 to vector<1024x1xi32>
      %add3A_63 = arith.addi %get3A_60, %add3A_62 : vector<1024x1xi32>
      %jit3A_64 = arith.constant 0 : i32
      %broadcast_in_dim3A_65 = vector.broadcast %jit3A_64 : i32 to vector<1024x1xi32>
      %select_n3A_66 = arith.select %gt3A_57, %add3A_63, %broadcast_in_dim3A_65 : vector<1024x1xi1>, vector<1024x1xi32>
      %swap3A_67 = arith.constant 0 : index
      %swap3A_68 = arith.constant 0 : index
      %swap3A_69 = vector.load %arg6[%swap3A_67, %swap3A_68] : memref<1024x1xi32, #tpu.memory_space<vmem>>, vector<1024x1xi32>
      tpu.vector_store %arg6[%swap3A_67, %swap3A_68], %select_n3A_66 {strides = array<i32>} : memref<1024x1xi32, #tpu.memory_space<vmem>>, vector<1024x1xi32>,
      %convert_element_type3A_70 = arith.extui %gt3A_57 : vector<1024x1xi1> to vector<1024x1xi32>
      %convert_element_type3A_71 = arith.sitofp %convert_element_type3A_70 : vector<1024x1xi32> to vector<1024x1xf32>
      %swap3A_72 = arith.constant 0 : index
      %swap3A_73 = arith.constant 0 : index
      %swap3A_74 = vector.load %arg7[%swap3A_72, %swap3A_73] : memref<1024x1xf32, #tpu.memory_space<vmem>>, vector<1024x1xf32>
      tpu.vector_store %arg7[%swap3A_72, %swap3A_73], %convert_element_type3A_71 {strides = array<i32>} : memref<1024x1xf32, #tpu.memory_space<vmem>>, vector<1024x1xf32>,
    } else {
    }
    return
  }
  func.func @transform_0(%arg0: i32, %arg1: i32) -> (i32, i32) {
    %c0_i32 = arith.constant 0 : i32
    %c0_i32_0 = arith.constant 0 : i32
    return %arg0, %c0_i32 : i32, i32
  }
  func.func @transform_1(%arg0: i32, %arg1: i32) -> (i32, i32) {
    %c0_i32 = arith.constant 0 : i32
    %c0_i32_0 = arith.constant 0 : i32
    %c0_i32_1 = arith.constant 0 : i32
    return %c0_i32, %c0_i32_0 : i32, i32
  }
  func.func @transform_2(%arg0: i32, %arg1: i32) -> (i32, i32) {
    %c0_i32 = arith.constant 0 : i32
    %c0_i32_0 = arith.constant 0 : i32
    return %arg1, %c0_i32 : i32, i32
  }
  func.func @transform_3(%arg0: i32, %arg1: i32) -> (i32, i32) {
    %c0_i32 = arith.constant 0 : i32
    %c0_i32_0 = arith.constant 0 : i32
    return %arg0, %c0_i32 : i32, i32
  }
  func.func @transform_4(%arg0: i32, %arg1: i32) -> (i32, i32) {
    %c0_i32 = arith.constant 0 : i32
    %c0_i32_0 = arith.constant 0 : i32
    return %arg0, %c0_i32 : i32, i32
  }
  func.func @transform_5(%arg0: i32, %arg1: i32) -> (i32, i32) {
    %c0_i32 = arith.constant 0 : i32
    %c0_i32_0 = arith.constant 0 : i32
    return %arg0, %c0_i32 : i32, i32
  }
}

module attributes {stable_mosaic.version = 14 : i64} {
  func.func @_post_body(%arg0: memref<4096x128xf32, #tpu.memory_space<vmem>>, %arg1: memref<4096x64xf32, #tpu.memory_space<vmem>>, %arg2: memref<4096x1xf32, #tpu.memory_space<vmem>>, %arg3: memref<64x4096xf32, #tpu.memory_space<vmem>>, %arg4: memref<64x64xf32, #tpu.memory_space<vmem>>, %arg5: memref<64x1xf32, #tpu.memory_space<vmem>>, %arg6: memref<64x4096xf32, #tpu.memory_space<vmem>>, %arg7: memref<1x1xf32, #tpu.memory_space<vmem>>, %arg8: memref<1x1xf32, #tpu.memory_space<vmem>>) attributes {dimension_semantics = [], scalar_prefetch = 0 : i64, scratch_operands = 0 : i64, tpu.core_type = #tpu.core_type<tc>} {
    %get3A = arith.constant 0 : index
    %get3A_0 = arith.constant 0 : index
    %get3A_1 = vector.load %arg0[%get3A, %get3A_0] : memref<4096x128xf32, #tpu.memory_space<vmem>>, vector<4096x64xf32>
    %get3A_2 = arith.constant 0 : index
    %get3A_3 = arith.constant 0 : index
    %get3A_4 = vector.load %arg4[%get3A_2, %get3A_3] : memref<64x64xf32, #tpu.memory_space<vmem>>, vector<64x64xf32>
    %dot_general3A = arith.constant dense<0.000000e+00> : vector<64x4096xf32>
    %dot_general3A_5 = tpu.matmul %get3A_4, %get3A_1, %dot_general3A {dimension_numbers = #tpu.dot_dimension_numbers<[1], [1], [0], [0], [0, 0, 1, 0], [], []>, transpose_lhs_hint = false} : vector<64x64xf32>, vector<4096x64xf32>, vector<64x4096xf32> -> vector<64x4096xf32>
    %get3A_6 = arith.constant 0 : index
    %get3A_7 = arith.constant 0 : index
    %get3A_8 = vector.load %arg3[%get3A_6, %get3A_7] : memref<64x4096xf32, #tpu.memory_space<vmem>>, vector<64x4096xf32>
    %dot_general3A_9 = arith.constant dense<0.000000e+00> : vector<64x4096xf32>
    %dot_general3A_10 = tpu.matmul %get3A_4, %get3A_8, %dot_general3A_9 {dimension_numbers = #tpu.dot_dimension_numbers<[1], [0], [0], [1], [0, 0, 1, 1], [], []>, transpose_lhs_hint = false} : vector<64x64xf32>, vector<64x4096xf32>, vector<64x4096xf32> -> vector<64x4096xf32>
    %add3A = arith.addf %dot_general3A_5, %dot_general3A_10 : vector<64x4096xf32>
    %get3A_11 = arith.constant 0 : index
    %get3A_12 = arith.constant 0 : index
    %get3A_13 = vector.load %arg5[%get3A_11, %get3A_12] : memref<64x1xf32, #tpu.memory_space<vmem>>, vector<64x1xf32>
    %add3A_14 = vector.broadcast %get3A_13 : vector<64x1xf32> to vector<64x4096xf32>
    %add3A_15 = arith.addf %add3A, %add3A_14 : vector<64x4096xf32>
    %swap3A = arith.constant 0 : index
    %swap3A_16 = arith.constant 0 : index
    %swap3A_17 = vector.load %arg6[%swap3A, %swap3A_16] : memref<64x4096xf32, #tpu.memory_space<vmem>>, vector<64x4096xf32>
    tpu.vector_store %arg6[%swap3A, %swap3A_16], %add3A_15 {strides = array<i32>} : memref<64x4096xf32, #tpu.memory_space<vmem>>, vector<64x4096xf32>,
    %get3A_18 = arith.constant 0 : index
    %get3A_19 = arith.constant 0 : index
    %get3A_20 = vector.load %arg1[%get3A_18, %get3A_19] : memref<4096x64xf32, #tpu.memory_space<vmem>>, vector<4096x64xf32>
    %sub3A = arith.subf %get3A_1, %get3A_20 : vector<4096x64xf32>
    %mul3A = arith.mulf %sub3A, %sub3A : vector<4096x64xf32>
    %reduce_sum3A = arith.constant dense<0.000000e+00> : vector<4096xf32>
    %reduce_sum3A_21 = vector.multi_reduction <add>, %mul3A, %reduce_sum3A [1] : vector<4096x64xf32> to vector<4096xf32>
    %broadcast_in_dim3A = vector.shape_cast %reduce_sum3A_21 : vector<4096xf32> to vector<4096x1xf32>
    %mul3A_22 = arith.constant 1.562500e-02 : f32
    %mul3A_23 = vector.broadcast %mul3A_22 : f32 to vector<4096x1xf32>
    %mul3A_24 = arith.mulf %broadcast_in_dim3A, %mul3A_23 : vector<4096x1xf32>
    %get3A_25 = arith.constant 0 : index
    %get3A_26 = arith.constant 0 : index
    %get3A_27 = vector.load %arg2[%get3A_25, %get3A_26] : memref<4096x1xf32, #tpu.memory_space<vmem>>, vector<4096x1xf32>
    %mul3A_28 = arith.mulf %mul3A_24, %get3A_27 : vector<4096x1xf32>
    %reduce_sum3A_29 = vector.shape_cast %mul3A_28 : vector<4096x1xf32> to vector<1x4096x1xf32>
    %reduce_sum3A_30 = arith.constant dense<0.000000e+00> : vector<1xf32>
    %reduce_sum3A_31 = vector.multi_reduction <add>, %reduce_sum3A_29, %reduce_sum3A_30 [1, 2] : vector<1x4096x1xf32> to vector<1xf32>
    %reduce_sum3A_32 = vector.shape_cast %reduce_sum3A_31 : vector<1xf32> to vector<1x1x1xf32>
    %reduce_sum3A_33 = vector.extract %reduce_sum3A_32[0, 0, 0] : f32 from vector<1x1x1xf32>
    %reshape3A = vector.broadcast %reduce_sum3A_33 : f32 to vector<1x1xf32>
    %swap3A_34 = arith.constant 0 : index
    %swap3A_35 = arith.constant 0 : index
    %swap3A_36 = vector.load %arg7[%swap3A_34, %swap3A_35] : memref<1x1xf32, #tpu.memory_space<vmem>>, vector<1x1xf32>
    tpu.vector_store %arg7[%swap3A_34, %swap3A_35], %reshape3A {strides = array<i32>} : memref<1x1xf32, #tpu.memory_space<vmem>>, vector<1x1xf32>,
    %reduce_sum3A_37 = vector.shape_cast %get3A_27 : vector<4096x1xf32> to vector<1x4096x1xf32>
    %reduce_sum3A_38 = arith.constant dense<0.000000e+00> : vector<1xf32>
    %reduce_sum3A_39 = vector.multi_reduction <add>, %reduce_sum3A_37, %reduce_sum3A_38 [1, 2] : vector<1x4096x1xf32> to vector<1xf32>
    %reduce_sum3A_40 = vector.shape_cast %reduce_sum3A_39 : vector<1xf32> to vector<1x1x1xf32>
    %reduce_sum3A_41 = vector.extract %reduce_sum3A_40[0, 0, 0] : f32 from vector<1x1x1xf32>
    %reshape3A_42 = vector.broadcast %reduce_sum3A_41 : f32 to vector<1x1xf32>
    %swap3A_43 = arith.constant 0 : index
    %swap3A_44 = arith.constant 0 : index
    %swap3A_45 = vector.load %arg8[%swap3A_43, %swap3A_44] : memref<1x1xf32, #tpu.memory_space<vmem>>, vector<1x1xf32>
    tpu.vector_store %arg8[%swap3A_43, %swap3A_44], %reshape3A_42 {strides = array<i32>} : memref<1x1xf32, #tpu.memory_space<vmem>>, vector<1x1xf32>,
    return
  }
}

</mosaic_0001>

<sc_bundles>
// kernel: kernel.6.cloned.1.call-start
scs
__scs_entry_jumppad:
0x0: {  	(pc) =	sbr.rel $0x88, $3  }
0x1: {  	(tag) =	ssettag $0x0;
	lr =	simm.s32 $0x1  }
0x2: {  	[smem:$0x3F99] =	sst lr;
	_ =	strace $0xD0000000  }
0x3: {  	_ = 	snop  }
0x4: {  	_ = 	snop  }
0x5: {  	_ = 	snop  }
0x6: {  	_ = 	snop  }
0x7: {  	_ = 	snop  }
__scs_overlays_trampoline_lowered:
0x8: {  	[smem:$0x3FA8] =	sst s0  }
0x9: {  	[smem:$0x3FA9] =	sst s1  }
0xa: {  	[smem:$0x3FAA] =	sst s2  }
0xb: {  	[smem:$0x3FAB] =	sst s3  }
0xc: {  	[smem:$0x3FAC] =	sst s4  }
0xd: {  	[smem:$0x3FAD] =	sst s5  }
0xe: {  	[smem:$0x3FAE] =	sst s6  }
0xf: {  	[smem:$0x3FAF] =	sst s7  }
0x10: {  	[smem:$0x3FB0] =	sst s8  }
0x11: {  	[smem:$0x3FB1] =	sst s9;
	s0 =	simm.s32 @!p0 $0x0  }
0x12: {  	s1 =	sld [smem:$0x3F97];
	s0 =	simm.s32 @p0 $0x1  }
0x13: {  	[smem:$0x3FB2] =	sst s0;
	s0 =	simm.s32 @!p1 $0x0  }
0x14: {  	s2 =	sld [smem:$0x3F96];
	s0 =	simm.s32 @p1 $0x1  }
0x15: {  	[smem:$0x3FB3] =	sst s0;
	s0 =	simm.s32 @!p2 $0x0  }
0x16: {  	s3 =	sld [smem:$0x3FDB];
	s0 =	simm.s32 @p2 $0x1  }
0x17: {  	s4 =	simm.s32 $0x1BF5;
	[smem:$0x3FB5] =	sst s0  }
0x18: {  	s0 =	sld [smem:$0x3F98];
	_ =	swait.ge [sflag:s4], $0x0  }
0x19: {  	s7 =	sld [smem:$0x3F99]  }
0x1a: {  	s8 =	sadd.s32 $0xFFFFE003, lr  }
0x1b: {  	s9 =	sadd.s32 $0xFFFFFEF7, lr;
	s5 =	simm.s32 $0xFFFFFFFF;
	p2 =	slt.u32 s8, $0xFFFFF086  }
0x1c: {  	p1 =	slt.u32 s9, $0xF7A;
	s5 =	simm.s32 @!p2 $0x0  }
0x1d: {  	s5 =	simm.s32 @p1 $0x1;
	p0 =	seq.s32 s7, s2  }
0x1e: {  	s7 =	smul.u32 @!p0 $0xF7A, s2;
	p2 =	seq.s32 @!p0 s5, $0x0  }
0x1f: {  	s9 =	smul.u32 $0xF7A, s1;
	s8 =	simm.s32 @!p0 $0x1BF5;
	p2 =	por !p2, p0  }
0x20: {  	[sflag:s8] =	ssyncset.s32 @!p0 $0xFFFFF086;
	s6 =	sadd.s32 @!p0 s3, s7;
	s7 =	simm.s32 @!p0 $0x108  }
0x21: {  	s3 =	sadd.s32 s3, s9;
	s6 =	sadd.s32 @!p0 $0x88, s6;
	s7 =	simm.s32 @p2 $0x1082  }
0x22: {  	[simem:s7], [sflag:s8] =	dma.local @!p0 [hbm:s6], $0xF7A  }
0x23: {  	s9 =	sor.u32 $0xD0000000, s2;
	s6 =	simm.s32 $0x108;
	_ =	swait.ge @!p0 [sflag:s8], $0x0  }
0x24: {  	s3 =	sadd.s32 $0x88, s3;
	s6 =	simm.s32 @!p1 $0x1082;
	[sflag:s4] =	ssyncset.s32 $0xFFFFF086  }
0x25: {  	[simem:s6], [sflag:s4] =	dma.local [hbm:s3], $0xF7A  }
0x26: {  	[smem:$0x3F99] =	sst s1;
	(tag) =	ssettag s2;
	_ =	strace s9  }
0x27: {  	s1 =	sld [smem:$0x3FA9]  }
0x28: {  	s2 =	sld [smem:$0x3FAA]  }
0x29: {  	s4 =	sld [smem:$0x3FAC]  }
0x2a: {  	p0 =	seq.s32 s5, $0x0;
	s5 =	sld [smem:$0x3FAD]  }
0x2b: {  	s6 =	sld [smem:$0x3FAE]  }
0x2c: {  	s7 =	sld [smem:$0x3FAF]  }
0x2d: {  	s3 =	simm.s32 $0x108;
	s8 =	sld [smem:$0x3FB0]  }
0x2e: {  	s3 =	simm.s32 @!p0 $0x1082;
	s9 =	sld [smem:$0x3FB1]  }
0x2f: {  	lr =	sadd.s32 s0, s3;
	s0 =	sld [smem:$0x3FA8]  }
0x30: {  	s3 =	sld [smem:$0x3FAB]  }
0x31: {  	[smem:$0x3FB4] =	sst s10  }
0x32: {  	s10 =	sld [smem:$0x3FB2];
	_ =	sdelay $0x3  }
0x33: {  	p0 =	seq.s32 s10, $0x1;
	s10 =	sld [smem:$0x3FB4];
	_ =	sdelay $0x3  }
0x34: {  	[smem:$0x3FB4] =	sst s10  }
0x35: {  	s10 =	sld [smem:$0x3FB3];
	_ =	sdelay $0x3  }
0x36: {  	p1 =	seq.s32 s10, $0x1;
	s10 =	sld [smem:$0x3FB4];
	_ =	sdelay $0x3  }
0x37: {  	[smem:$0x3FB4] =	sst s10  }
0x38: {  	s10 =	sld [smem:$0x3FB5]  }
0x39: {  	_ = 	snop;
	(pc) =	sbr.ind lr, $3  }
0x3a: {  	_ = 	snop  }
0x3b: {  	_ = 	snop  }
0x3c: {  	p2 =	seq.s32 s10, $0x1;
	s10 =	sld [smem:$0x3FB4]  }
0x3d: {  	_ =	shalt  }
0x3e: {  	_ =	shalt  }
0x3f: {  	_ =	shalt  }
0x40: {  	_ =	shalt  }
0x41: {  	_ =	shalt  }
0x42: {  	_ =	shalt  }
0x43: {  	_ =	shalt  }
0x44: {  	_ =	shalt  }
0x45: {  	_ =	shalt  }
0x46: {  	_ =	shalt  }
0x47: {  	_ =	shalt  }
0x48: {  	_ =	shalt  }
0x49: {  	_ =	shalt  }
0x4a: {  	_ =	shalt  }
0x4b: {  	_ =	shalt  }
0x4c: {  	_ =	shalt  }
0x4d: {  	_ =	shalt  }
0x4e: {  	_ =	shalt  }
0x4f: {  	_ =	shalt  }
0x50: {  	_ =	shalt  }
0x51: {  	_ =	shalt  }
0x52: {  	_ =	shalt  }
0x53: {  	_ =	shalt  }
0x54: {  	_ =	shalt  }
0x55: {  	_ =	shalt  }
0x56: {  	_ =	shalt  }
0x57: {  	_ =	shalt  }
0x58: {  	_ =	shalt  }
0x59: {  	_ =	shalt  }
0x5a: {  	_ =	shalt  }
0x5b: {  	_ =	shalt  }
0x5c: {  	_ =	shalt  }
0x5d: {  	_ =	shalt  }
0x5e: {  	_ =	shalt  }
0x5f: {  	_ =	shalt  }
0x60: {  	_ =	shalt  }
0x61: {  	_ =	shalt  }
0x62: {  	_ =	shalt  }
0x63: {  	_ =	shalt  }
0x64: {  	_ =	shalt  }
0x65: {  	_ =	shalt  }
0x66: {  	_ =	shalt  }
0x67: {  	_ =	shalt  }
0x68: {  	_ =	shalt  }
0x69: {  	_ =	shalt  }
0x6a: {  	_ =	shalt  }
0x6b: {  	_ =	shalt  }
0x6c: {  	_ =	shalt  }
0x6d: {  	_ =	shalt  }
0x6e: {  	_ =	shalt  }
0x6f: {  	_ =	shalt  }
0x70: {  	_ =	shalt  }
0x71: {  	_ =	shalt  }
0x72: {  	_ =	shalt  }
0x73: {  	_ =	shalt  }
0x74: {  	_ =	shalt  }
0x75: {  	_ =	shalt  }
0x76: {  	_ =	shalt  }
0x77: {  	_ =	shalt  }
0x78: {  	_ =	shalt  }
0x79: {  	_ =	shalt  }
0x7a: {  	_ =	shalt  }
0x7b: {  	_ =	shalt  }
0x7c: {  	_ =	shalt  }
0x7d: {  	_ =	shalt  }
0x7e: {  	_ =	shalt  }
0x7f: {  	_ =	shalt  }
0x80: {  	_ =	shalt  }
0x81: {  	_ =	shalt  }
0x82: {  	_ =	shalt  }
0x83: {  	_ =	shalt  }
0x84: {  	_ =	shalt  }
0x85: {  	_ =	shalt  }
0x86: {  	_ =	shalt  }
0x87: {  	_ =	shalt  }
.Lfunc_end0:
.L_simem_size_0:
called_computation_lowered:
.L_overlay_start_0:
0x88: {  	s2 =	sld [smem:$0x3FD9]  }
0x89: {  	s3 =	sld [smem:$0x3FFE];
	_ =	sdelay $0x1  }
0x8a: {  	s1 =	srdreg.scid  }
0x8b: {  	s0 =	sand.u32 $0x1, s1  }
0x8c: {  	s14 =	sshll.u32 s0, $0xA;
	s2 =	sadd.s32 s3, s2  }
0x8d: {  	s2 =	sadd.s32 s2, s14  }
0x8e: {  	[smem:$0x3FC0] =	sst s2  }
0x8f: {  	_ = 	snop  }
0x90: {  	s2 =	sld [smem:$0x3FD0];
	_ =	sdelay $0x2  }
0x91: {  	s15 =	simm.s32 $0xA;
	s4 =	simm.s32 $0x10  }
0x92: {  	[smem:s4], [sflag:s15] =	dma.local [hbm:s2], $0x1  }
0x93: {  	_ =	swait.eq [sflag:s15], $0x1  }
0x94: {  	[sflag:s15] =	ssyncset.done $0x0  }
0x95: {  	s16 =	sld [smem:$0x10];
	[sflag:s15] =	ssyncadd.s32 $0xFFFFFFFF  }
0x96: {  	s17 =	sld [smem:$0x12];
	(tm) =	ssettm $0x1  }
0x97: {  	s18 =	sld [smem:$0x3FFB];
	_ =	sdelay $0x3  }
0x98: {  	_ =	strace s18  }
0x99: {  	s4 =	sld [smem:$0x3FFC];
	_ =	sdelay $0x3  }
0x9a: {  	_ =	strace s4  }
0x9b: {  	s4 =	sld [smem:$0x3FFD];
	_ =	sdelay $0x3  }
0x9c: {  	_ =	strace s4  }
0x9d: {  	_ =	strace $0x8FFFFFFF  }
0x9e: {  	s19 =	sld [smem:$0x3FDB];
	_ =	sdelay $0x1  }
0x9f: {  	s5 =	simm.s32 $_scs_section_size  }
0xa0: {  	s6 =	simm.s32 $_size__tile_overlayer_lowered;
	s7 =	simm.s32 $_tile_overlayer_lowered  }
0xa1: {  	s22 =	simm.s32 $0x1BFF;
	s21 =	sshll.u32 s7, $0x1;
	s4 =	sadd.s32 s5, s19  }
0xa2: {  	s8 =	simm.s32 $0x0;
	s20 =	sshll.u32 s6, $0x1;
	s6 =	sadd.s32 s21, s4  }
0xa3: {  	[timem:s8], [sflag:s22] =	dma.local [hbm:s6], s20  }
0xa4: {  	_ =	swait.ge [sflag:s22], s20  }
0xa5: {  	s5 =	ssub.s32 $0x0, s20;
	[sflag:s22] =	ssyncset.done $0x0  }
0xa6: {  	[sflag:s22] =	ssyncadd.s32 s5;
	_ =	sdelay $0x1  }
0xa7: {  	s23 =	simm.s32 $0x1B8B  }
0xa8: {  	_ =	swait.ge [sflag:s23], $0x1  }
0xa9: {  	[sflag:s23] =	ssyncset.done $0x0  }
0xaa: {  	s25 =	simm.s32 $0x1B8E;
	s24 =	sld [smem:$0x3FFE];
	[sflag:s23] =	ssyncadd.s32 $0xFFFFFFFF  }
0xab: {  	s26 =	simm.s32 $execute0_lowered;
	[smem:$0x3FD2] =	sst s25  }
0xac: {  	s6 =	sshll.u32 s26, $0x1;
	_ =	strace $0x80000046;
	[dreg:$0x1] =	wrdreg $0xFFFFFFFF  }
0xad: {  	s28 =	simm.s32 $_size_execute0_lowered;
	s4 =	sadd.s32 s4, s6;
	[dreg:$0x0] =	wrdreg $0x0  }
0xae: {  	s6 =	sshll.u32 s28, $0x1;
	[dreg:$0x2] =	wrdreg s4  }
0xaf: {  	[dreg:$0x3] =	wrdreg s6  }
0xb0: {  	[dreg:$0x4] =	wrdreg $0xC0  }
0xb1: {  	_ =	task [dreg:s8], $0x5FFFF  }
0xb2: {  	[dreg:$0x1] =	wrdreg $0xFFFFFFFF  }
0xb3: {  	[dreg:$0x0] =	wrdreg $0x60  }
0xb4: {  	[dreg:$0x2] =	wrdreg s24  }
0xb5: {  	[dreg:$0x3] =	wrdreg s17  }
0xb6: {  	[dreg:$0x4] =	wrdreg s16  }
0xb7: {  	[dreg:$0x5] =	wrdreg $0x9  }
0xb8: {  	_ =	task.clear_ibuf [dreg:s8], $0x6FFFF;
	_ =	strace $0x90000046  }
0xb9: {  	s29 =	simm.s32 $0x9;
	_ =	strace $0x80000048  }
0xba: {  	_ =	swait.ge [sflag:s29], $0x1  }
0xbb: {  	[sflag:s29] =	ssyncadd.s32 $0xFFFFFFFF  }
0xbc: {  	_ =	strace $0x90000048  }
0xbd: {  	_ =	sfence  }
0xbe: {  	s30 =	sld [smem:$0x0];
	_ =	sdelay $0x2  }
0xbf: {  	s31 =	sshll.u32 s1, $0xD;
	s1 =	sshrl.u32 s1, $0x2  }
0xc0: {  	s3 =	sand.u32 $0x4000, s31;
	s1 =	sadd.s32 s1, s30  }
0xc1: {  	s0 =	sor.u32 s3, s0;
	s1 =	sshll.u32 s1, $0x11  }
0xc2: {  	s0 =	sor.u32 s1, s0  }
0xc3: {  	s0 =	sadd.s32 $0x8F2B, s0  }
0xc4: {  	[sflag:s0] =	ssyncadd.remote.s32 $0x1  }
0xc5: {  	_ =	sfence.sel $0xFFFF  }
0xc6: {  	[dreg:$0x0] =	wrdreg $0xFFFFFFFF;
	(pc) =	sbr.abs _section_cstart, $3  }
0xc7: {  	[dreg:$0x1] =	wrdreg $0xFFFFFFFF  }
0xc8: {  	_ =	task.clear_ibuf [dreg:s8], $0x2FFFF;
	_ =	strace $0x9FFFFFFF  }
0xc9: {  	(tm) =	ssettm $0x7FFFFFFF  }
tec
execute0_lowered:
.L_overlay_start_1:
0x0: {  	(tag) =	ssettag $0x1  }
0x1: {  	s5 =	rddreg [dreg:$0x0]  }
0x2: {  	s1 =	srdreg.scid;
	s3 =	rddreg [dreg:$0x1]  }
0x3: {  	s0 =	stileid.u32;
	s7 =	rddreg [dreg:$0x2];
	s6 =	sand.u32 $0x1, s1  }
0x4: {  	s2 =	simm.s32 $0x0;
	s4 =	sshll.u32 s0, $0x8;
	s8 =	sshll.u32 s6, $0x7  }
0x5: {  	[smem:$0x7FF] =	sst s2;
	s8 =	sor.u32 s8, s4  }
0x6: {  	s1 =	rddreg [dreg:$0x3];
	_ =	strace $0x80000047;
	s4 =	sshrl.u32 s8, $0x3  }
0x7: {  	s9 =	ssub.s32 $0x2, s6;
	s4 =	sadd.s32 s3, s4;
	s3 =	simm.s32 $0x1  }
0x8: {  	[tilespmem:s2], [sflag:$0x1] =	stream.linear.gather [hbm4b:s4+s2], $0x80, $0x38;
	[tilespmem:$0x4080] =	vst v63  }
0x9: {  	s10 =	sshrl.u32 s9, $0x1;
	_ =	swait.ge [sflag:s3], $0x80  }
0xa: {  	s5 =	sadd.s32 $0x1A00, s5;
	s9 =	ssub.s32 s9, s10;
	[sflag:s3] =	ssyncset.done $0x0  }
0xb: {  	s6 =	simm.s32 $0x80;
	s31 =	smax.u32 s9, $0x1;
	[sflag:s3] =	ssyncadd.s32 $0xFFFFFF80  }
0xc: {  	[tilespmem:s6], [sflag:$0x1] =	stream.linear.gather [hbm4b:s5+s2], $0x4000, $0x38;
	[tilespmem:$0x4080] =	vst v63  }
0xd: {  	p0 =	sne.s32 s31, $0x1;
	_ =	swait.ge [sflag:s3], $0x4000  }
.Ltmp0:
0xe: {  	s8 =	sshll.u32 s8, $0x4;
	[sflag:s3] =	ssyncset.done $0x0;
	(pc) =	sbr.rel @!p0 .LBB2_2-.Ltmp0, $4  }
0xf: {  	s7 =	sadd.s32 s7, s8;
	[sflag:s3] =	ssyncadd.s32 $0xFFFFC000  }
0x10: {  	[hbm4b:s7+s2] =	stream.linear.scatter [tilespmem:s6], [sflag:$0x1], $0x4000, $0x38;
	[tilespmem:$0x4080] =	vst v63  }
0x11: {  	_ =	swait.ge [sflag:s3], $0x4000  }
0x12: {  	s8 =	sadd.s32 $0xFFFFFFFF, s31;
	[sflag:s3] =	ssyncset.done $0x0  }
.LBB2_1:
0x13: {  	p0 =	sne.s32 s8, $0x1;
	s8 =	sadd.s32 $0xFFFFFFFF, s8;
	[sflag:s3] =	ssyncadd.s32 $0xFFFFC000  }
0x14: {  	[tilespmem:s2], [sflag:$0x1] =	stream.linear.gather [hbm4b:s4+s2], $0x80, $0x38;
	[tilespmem:$0x4080] =	vst v63  }
0x15: {  	_ =	swait.ge [sflag:s3], $0x80  }
0x16: {  	[sflag:s3] =	ssyncset.done $0x0  }
0x17: {  	[sflag:s3] =	ssyncadd.s32 $0xFFFFFF80  }
0x18: {  	[tilespmem:s6], [sflag:$0x1] =	stream.linear.gather [hbm4b:s5+s2], $0x4000, $0x38;
	[tilespmem:$0x4080] =	vst v63  }
0x19: {  	_ =	swait.ge [sflag:s3], $0x4000  }
.Ltmp1:
0x1a: {  	[sflag:s3] =	ssyncset.done $0x0;
	(pc) =	sbr.rel @p0 .LBB2_1-.Ltmp1, $4  }
0x1b: {  	[sflag:s3] =	ssyncadd.s32 $0xFFFFC000  }
0x1c: {  	[hbm4b:s7+s2] =	stream.linear.scatter [tilespmem:s6], [sflag:$0x1], $0x4000, $0x38;
	[tilespmem:$0x4080] =	vst v63  }
0x1d: {  	_ =	swait.ge [sflag:s3], $0x4000  }
0x1e: {  	[sflag:s3] =	ssyncset.done $0x0  }
.LBB2_2:
0x1f: {  	[sflag:s3] =	ssyncadd.s32 $0xFFFFC000  }
0x20: {  	_ =	sfence.sel $0x180000  }
0x21: {  	[bflag:$0x0] =	sbarrier.arrive $0xFFFF  }
0x22: {  	p0 =	sne.s32 s0, $0x0;
	_ =	strace $0x90000047  }
0x23: {  	s0 =	sadd.s32 @!p0 $0x100000, s1;
	[bflag:$0x2] =	sbarrier.arrive $0xFFFF  }
0x24: {  	[sflag:s0] =	ssyncadd.tile.s32 @!p0 $0x1;
	_ =	shalt  }
.Lfunc_end2:
_tile_overlayer_lowered:
.L_overlay_start_2:
0x25: {  	(tag) =	ssettag $0x2  }
0x26: {  	s0 =	rddreg [dreg:$0x0];
	s2 =	stileid.u32  }
0x27: {  	s1 =	rddreg [dreg:$0x1];
	p0 =	sne.s32 s2, $0x0  }
0x28: {  	s3 =	rddreg [dreg:$0x2];
	[bflag:$0x3] =	sbarrier.arrive $0xFFFF;
	s2 =	simm.s32 @!p0 $0x1C01  }
0x29: {  	[timem:s3], [sflag:s2] =	dma.local @!p0 [hbm:s0], s1  }
0x2a: {  	s0 =	simm.s32 @!p0 $0x1  }
0x2b: {  	_ =	swait.ge @!p0 [sflag:s0], s1  }
0x2c: {  	s1 =	ssub.s32 @!p0 $0x0, s1;
	[sflag:s0] =	ssyncset.done @!p0 $0x0  }
0x2d: {  	[sflag:s0] =	ssyncadd.s32 @!p0 s1  }
0x2e: {  	[bflag:$0x3] =	sbarrier.arrive $0xFFFF  }
0x2f: {  	_ =	shalt  }

</sc_bundles>
